<compile_context>
chip_gen: v7x
topology: tpu7x:2x2x1
jax: 0.10.2.dev20260603
libtpu: 0.0.44.dev20260713+nightly
codegen_flags: <defaults>
</compile_context>

<pallas_src>
import functools

import jax
import jax.numpy as jnp
from jax import lax
from jax.experimental import pallas as pl
from jax.experimental.pallas import tpu as pltpu
from jax.experimental.pallas import tpu_sc as plsc

N_NODES = 10000
E_EDGES = 320000
D = 128

NC = 2
NS = 16
NW = NC * NS

CHUNK = 128
TOT_CHUNKS = E_EDGES // CHUNK
BASE_CH = TOT_CHUNKS // NW
EXTRA_CH = TOT_CHUNKS - BASE_CH * NW
EPW2 = E_EDGES // NW
N_PAD = 10112
ACC_ROWS = 10008
RPT = 632
LAST_RPT = ACC_ROWS - 15 * RPT
OUT_W = 16

_mesh = plsc.VectorSubcoreMesh(core_axis_name="c", subcore_axis_name="s")


@functools.partial(
    pl.kernel,
    mesh=_mesh,
    out_type=jax.ShapeDtypeStruct((NC, N_PAD, D), jnp.float32),
    scratch_types=[
        pltpu.VMEM((2, 2, CHUNK), jnp.int32),
        pltpu.VMEM((CHUNK, D), jnp.float32),
        pltpu.VMEM_SHARED((ACC_ROWS, D), jnp.float32),
        pltpu.SemaphoreType.DMA,
        pltpu.SemaphoreType.DMA,
    ],
)
def _sc_segsum_wide(x_hbm, edges_hbm, zeros_hbm, out_hbm, idx_v, rows_v, acc_sh,
                    sem, isem):
    c = lax.axis_index("c")
    s = lax.axis_index("s")
    w = c * NS + s
    row0 = s * RPT
    nch = jnp.where(w < EXTRA_CH, BASE_CH + 1, BASE_CH)
    cbase = w * BASE_CH + jnp.minimum(w, EXTRA_CH)

    @pl.when(s < NS - 1)
    def _():
        pltpu.sync_copy(zeros_hbm, acc_sh.at[pl.ds(row0, RPT)])

    @pl.when(s == NS - 1)
    def _():
        pltpu.sync_copy(zeros_hbm.at[pl.ds(0, LAST_RPT)],
                        acc_sh.at[pl.ds(row0, LAST_RPT)])

    pltpu.sync_copy(edges_hbm.at[:, pl.ds(cbase * CHUNK, CHUNK)], idx_v.at[0])
    plsc.subcore_barrier()

    def body(g, carry):
        q = lax.rem(g, 2)

        @pl.when(g + 1 < nch)
        def _():
            pltpu.async_copy(
                edges_hbm.at[:, pl.ds((cbase + g + 1) * CHUNK, CHUNK)],
                idx_v.at[1 - q], isem)

        pltpu.async_copy(x_hbm.at[idx_v.at[q, 0]], rows_v, sem).wait()
        pltpu.sync_copy(rows_v, acc_sh.at[idx_v.at[q, 1]], add=True)

        @pl.when(g + 1 < nch)
        def _():
            pltpu.make_async_copy(
                edges_hbm.at[:, pl.ds((cbase + g + 1) * CHUNK, CHUNK)],
                idx_v.at[1 - q], isem).wait()

        return carry

    lax.fori_loop(0, nch, body, 0)
    plsc.subcore_barrier()

    @pl.when(s < NS - 1)
    def _():
        pltpu.sync_copy(acc_sh.at[pl.ds(row0, RPT)],
                        out_hbm.at[c, pl.ds(row0, RPT)])

    @pl.when(s == NS - 1)
    def _():
        pltpu.sync_copy(acc_sh.at[pl.ds(row0, LAST_RPT)],
                        out_hbm.at[c, pl.ds(row0, LAST_RPT)])


M_FLAT = 16384


@functools.partial(
    pl.kernel,
    mesh=_mesh,
    out_type=jax.ShapeDtypeStruct((NW * M_FLAT,), jnp.float32),
    scratch_types=[
        pltpu.VMEM((2, BASE_CH * CHUNK), jnp.int32),
        pltpu.VMEM((2, CHUNK), jnp.int32),
        pltpu.VMEM((M_FLAT,), jnp.float32),
        pltpu.VMEM((M_FLAT,), jnp.float32),
    ],
    compiler_params=pltpu.CompilerParams(needs_layout_passes=False),
)
def _sc_segsum_narrow(m_hbm, edges_hbm, zeros_hbm, out_hbm, eb_v, ex_v, m_v,
                      part_v):
    c = lax.axis_index("c")
    s = lax.axis_index("s")
    w = c * NS + s
    cbase = w * BASE_CH + jnp.minimum(w, EXTRA_CH)
    pltpu.sync_copy(edges_hbm.at[:, pl.ds(cbase * CHUNK, BASE_CH * CHUNK)], eb_v)

    @pl.when(w < EXTRA_CH)
    def _():
        pltpu.sync_copy(
            edges_hbm.at[:, pl.ds((cbase + BASE_CH) * CHUNK, CHUNK)], ex_v)

    pltpu.sync_copy(m_hbm, m_v)
    pltpu.sync_copy(zeros_hbm, part_v)

    def body(i, carry):
        s16 = eb_v[0, pl.ds(i * 16, 16)]
        d16 = eb_v[1, pl.ds(i * 16, 16)]
        v = plsc.load_gather(m_v, [s16])
        plsc.addupdate_scatter(part_v, [d16], v)
        return carry

    lax.fori_loop(0, (BASE_CH * CHUNK) // 16, body, 0)

    @pl.when(w < EXTRA_CH)
    def _():
        def xbody(i, carry):
            s16 = ex_v[0, pl.ds(i * 16, 16)]
            d16 = ex_v[1, pl.ds(i * 16, 16)]
            v = plsc.load_gather(m_v, [s16])
            plsc.addupdate_scatter(part_v, [d16], v)
            return carry

        lax.fori_loop(0, CHUNK // 16, xbody, 0)

    pltpu.sync_copy(part_v, out_hbm.at[pl.ds(w * M_FLAT, M_FLAT)])


def _tc_finish_body(parts_ref, out_ref):
    out_ref[...] = jnp.maximum(jnp.sum(parts_ref[...], axis=0), 0.0)


_tc_finish = pl.pallas_call(
    _tc_finish_body,
    grid=(M_FLAT // (8 * D),),
    in_specs=[pl.BlockSpec((NW, 8, D), lambda i: (0, i, 0))],
    out_specs=pl.BlockSpec((8, D), lambda i: (i, 0)),
    out_shape=jax.ShapeDtypeStruct((M_FLAT // D, D), jnp.float32),
)


def _tc_pre_body(x_ref, w1_ref, out_ref):
    out_ref[...] = jax.lax.dot(
        x_ref[...].astype(jnp.bfloat16), w1_ref[...].astype(jnp.bfloat16),
        preferred_element_type=jnp.float32)


_tc_pre = pl.pallas_call(
    _tc_pre_body,
    grid=(5,),
    in_specs=[
        pl.BlockSpec((N_NODES // 5, D), lambda i: (i, 0)),
        pl.BlockSpec((D, D), lambda i: (0, 0)),
    ],
    out_specs=pl.BlockSpec((N_NODES // 5, D), lambda i: (i, 0)),
    out_shape=jax.ShapeDtypeStruct((N_NODES, D), jnp.float32),
)


def _tc_body(p0_ref, p1_ref, w2_ref, out_ref):
    h = jnp.maximum(p0_ref[...] + p1_ref[...], 0.0)
    out_ref[...] = jax.lax.dot(h, w2_ref[...], preferred_element_type=jnp.float32)


_TC_BLOCK = 1264
_tc_matmul = pl.pallas_call(
    _tc_body,
    grid=(N_PAD // _TC_BLOCK,),
    in_specs=[
        pl.BlockSpec((_TC_BLOCK, D), lambda i: (i, 0)),
        pl.BlockSpec((_TC_BLOCK, D), lambda i: (i, 0)),
        pl.BlockSpec((D, OUT_W), lambda i: (0, 0)),
    ],
    out_specs=pl.BlockSpec((_TC_BLOCK, OUT_W), lambda i: (i, 0)),
    out_shape=jax.ShapeDtypeStruct((N_PAD, OUT_W), jnp.float32),
)


def kernel(x, edge_index, batch, W1, W2):
    edges = edge_index
    z_wide = jnp.zeros((RPT, D), jnp.float32)
    z_flat = jnp.zeros((M_FLAT,), jnp.float32)
    w2p = jnp.pad(W2, ((0, 0), (0, OUT_W - 1)))

    y = _tc_pre(x, W1)
    p = _sc_segsum_wide(y, edges, z_wide)
    m = _tc_matmul(p[0], p[1], w2p)
    m_flat = jnp.pad(m[:, 0], (0, M_FLAT - N_PAD))
    parts = _sc_segsum_narrow(m_flat, edges, z_flat)
    out = _tc_finish(parts.reshape(NW, M_FLAT // D, D))
    return out.reshape(-1)[:N_NODES].reshape(N_NODES, 1)

# --- scband reference (transcript-rebuilt; emitter-appended) ---
"""Pipeline reference for scband-neura-logic-12180527252063 (READ-ONLY COPY).

The authoritative reference and input builder live on the scoring server;
editing this copy changes nothing except your own understanding.
"""

import jax, jax.numpy as jnp
import numpy as np

N = 10000
E = 320000
D = 128

def setup_inputs(seed: int = 0) -> dict:
    key = jax.random.key(seed)
    k1, k2, k3, k4 = jax.random.split(key, 4)
    x = jax.random.normal(k1, (N, D), dtype=jnp.float32)
    edge_index = jax.random.randint(k2, (2, E), 0, N, dtype=jnp.int32)
    batch = jnp.zeros((N,), dtype=jnp.int32)
    # GCNConv weights (normalize=False, bias=False). Layer 0: 128->128, layer 1 (last): 128->1.
    W1 = jax.random.normal(k3, (D, D), dtype=jnp.float32) * (1.0 / np.sqrt(D))
    W2 = jax.random.normal(k4, (D, 1), dtype=jnp.float32) * (1.0 / np.sqrt(D))
    return {"x": x, "edge_index": edge_index, "batch": batch, "W1": W1, "W2": W2}

def _gcn_conv(x, edge_index, W):
    # PyG GCNConv with normalize=False, bias=False, no self-loops added:
    # out[dst] = sum over edges (x @ W)[src]
    src = edge_index[0]
    dst = edge_index[1]
    h = x @ W
    msg = jnp.take(h, src, axis=0)
    return jax.ops.segment_sum(msg, dst, num_segments=x.shape[0])

def reference(x, edge_index, batch, W1, W2):
    # NeuraLogic forward: stack of GCNConv layers, each followed by RELU activation.
    h = jax.nn.relu(_gcn_conv(x, edge_index, W1))
    out = jax.nn.relu(_gcn_conv(h, edge_index, W2))
    return out

if __name__ == "__main__":
    import jax
    _d = setup_inputs()
    print(jax.jit(kernel)(*tuple(_d.values())))

</pallas_src>

<mosaic_0001>
#map = affine_map<(d0, d1) -> (0, 0)>
#map1 = affine_map<(d0, d1) -> (0, 0, 0)>
module attributes {stable_mosaic.version = 14 : i64} {
  func.func @_sc_segsum_wide(%arg0: i32, %arg1: i32, %arg2: memref<10000x128xf32, #tpu.memory_space<hbm>>, %arg3: memref<2x320000xi32, #tpu.memory_space<hbm>>, %arg4: memref<632x128xf32, #tpu.memory_space<hbm>>, %arg5: memref<2x10112x128xf32, #tpu.memory_space<hbm>>, %arg6: memref<2x2x128xi32, #tpu.memory_space<vmem>>, %arg7: memref<128x128xf32, #tpu.memory_space<vmem>>, %arg8: memref<10008x128xf32, #tpu.memory_space<vmem_shared>>, %arg9: memref<!tpu.dma_semaphore, #tpu.memory_space<semaphore_mem>>, %arg10: memref<!tpu.dma_semaphore, #tpu.memory_space<semaphore_mem>>) attributes {dimension_semantics = [#tpu.dimension_semantics<core_parallel>, #tpu.dimension_semantics<subcore_parallel>], iteration_bounds = array<i64: 2, 16>, scalar_prefetch = 0 : i64, scratch_operands = 5 : i64, tpu.core_type = #tpu.core_type<sc_vector_subcore>, window_params = [{transform_indices = #map}, {transform_indices = #map}, {transform_indices = #map}, {transform_indices = #map1}]} {
    %mul3A = arith.constant 16 : i32
    %mul3A_0 = arith.muli %arg0, %mul3A : i32
    %add3A = arith.addi %mul3A_0, %arg1 : i32
    %mul3A_1 = arith.constant 632 : i32
    %mul3A_2 = arith.muli %arg1, %mul3A_1 : i32
    %lt3A = arith.constant 4 : i32
    %lt3A_3 = arith.cmpi slt, %add3A, %lt3A : i32
    %jit3A = arith.constant 79 : i32
    %jit3A_4 = arith.constant 78 : i32
    %select_n3A = arith.select %lt3A_3, %jit3A, %jit3A_4 : i32
    %mul3A_5 = arith.constant 78 : i32
    %mul3A_6 = arith.muli %add3A, %mul3A_5 : i32
    %min3A = arith.constant 4 : i32
    %min3A_7 = arith.minsi %add3A, %min3A : i32
    %add3A_8 = arith.addi %mul3A_6, %min3A_7 : i32
    %lt3A_9 = arith.constant 15 : i32
    %lt3A_10 = arith.cmpi slt, %arg1, %lt3A_9 : i32
    %convert_element_type3A = arith.extui %lt3A_10 : i1 to i32
    %cond3A = arith.constant 0 : i32
    %cond3A_11 = arith.cmpi ne, %convert_element_type3A, %cond3A : i32
    scf.if %cond3A_11 {
      "tpu.region"() ({
        %run_scoped3A_38 = tpu.sem_alloc : memref<!tpu.dma_semaphore, #tpu.memory_space<semaphore_mem>>
        %dma_start3A = arith.constant 0 : i32
        %dma_start3A_39 = tpu.memref_slice %arg8[%mul3A_2, %dma_start3A] : memref<10008x128xf32, #tpu.memory_space<vmem_shared>> -> memref<632x128xf32, #tpu.memory_space<vmem_shared>>
        tpu.enqueue_dma source(%arg4 : memref<632x128xf32, #tpu.memory_space<hbm>>) target(%dma_start3A_39 : memref<632x128xf32, #tpu.memory_space<vmem_shared>>) target_semaphore(%run_scoped3A_38 : memref<!tpu.dma_semaphore, #tpu.memory_space<semaphore_mem>>)
        %dma_wait3A = arith.constant 0 : i32
        %dma_wait3A_40 = tpu.memref_slice %arg8[%mul3A_2, %dma_wait3A] : memref<10008x128xf32, #tpu.memory_space<vmem_shared>> -> memref<632x128xf32, #tpu.memory_space<vmem_shared>>
        tpu.wait_dma2 semaphore(%run_scoped3A_38 : memref<!tpu.dma_semaphore, #tpu.memory_space<semaphore_mem>>) src(%arg4 : memref<632x128xf32, #tpu.memory_space<hbm>>) dst(%dma_wait3A_40 : memref<632x128xf32, #tpu.memory_space<vmem_shared>>)
        tpu.yield
      }) : () -> ()
    } else {
    }
    %eq3A = arith.constant 15 : i32
    %eq3A_12 = arith.cmpi eq, %arg1, %eq3A : i32
    %convert_element_type3A_13 = arith.extui %eq3A_12 : i1 to i32
    %cond3A_14 = arith.constant 0 : i32
    %cond3A_15 = arith.cmpi ne, %convert_element_type3A_13, %cond3A_14 : i32
    scf.if %cond3A_15 {
      "tpu.region"() ({
        %run_scoped3A_38 = tpu.sem_alloc : memref<!tpu.dma_semaphore, #tpu.memory_space<semaphore_mem>>
        %dma_start3A = arith.constant 0 : i32
        %dma_start3A_39 = tpu.memref_slice %arg8[%mul3A_2, %dma_start3A] : memref<10008x128xf32, #tpu.memory_space<vmem_shared>> -> memref<528x128xf32, #tpu.memory_space<vmem_shared>>
        %dma_start3A_40 = arith.constant 0 : i32
        %dma_start3A_41 = arith.constant 0 : i32
        %dma_start3A_42 = tpu.memref_slice %arg4[%dma_start3A_40, %dma_start3A_41] : memref<632x128xf32, #tpu.memory_space<hbm>> -> memref<528x128xf32, #tpu.memory_space<hbm>>
        tpu.enqueue_dma source(%dma_start3A_42 : memref<528x128xf32, #tpu.memory_space<hbm>>) target(%dma_start3A_39 : memref<528x128xf32, #tpu.memory_space<vmem_shared>>) target_semaphore(%run_scoped3A_38 : memref<!tpu.dma_semaphore, #tpu.memory_space<semaphore_mem>>)
        %dma_wait3A = arith.constant 0 : i32
        %dma_wait3A_43 = tpu.memref_slice %arg8[%mul3A_2, %dma_wait3A] : memref<10008x128xf32, #tpu.memory_space<vmem_shared>> -> memref<528x128xf32, #tpu.memory_space<vmem_shared>>
        %dma_wait3A_44 = arith.constant 0 : i32
        %dma_wait3A_45 = arith.constant 0 : i32
        %dma_wait3A_46 = tpu.memref_slice %arg4[%dma_wait3A_44, %dma_wait3A_45] : memref<632x128xf32, #tpu.memory_space<hbm>> -> memref<528x128xf32, #tpu.memory_space<hbm>>
        tpu.wait_dma2 semaphore(%run_scoped3A_38 : memref<!tpu.dma_semaphore, #tpu.memory_space<semaphore_mem>>) src(%dma_wait3A_46 : memref<528x128xf32, #tpu.memory_space<hbm>>) dst(%dma_wait3A_43 : memref<528x128xf32, #tpu.memory_space<vmem_shared>>)
        tpu.yield
      }) : () -> ()
    } else {
    }
    %mul3A_16 = arith.constant 128 : i32
    %mul3A_17 = arith.muli %add3A_8, %mul3A_16 : i32
    %run_scoped3A = arith.constant 0 : i32
    "tpu.region"() ({
      %run_scoped3A_38 = tpu.sem_alloc : memref<!tpu.dma_semaphore, #tpu.memory_space<semaphore_mem>>
      %dma_start3A = arith.constant 0 : i32
      %dma_start3A_39 = arith.constant 0 : i32
      %dma_start3A_40 = tpu.memref_slice %arg6[%run_scoped3A, %dma_start3A, %dma_start3A_39] : memref<2x2x128xi32, #tpu.memory_space<vmem>> -> memref<1x2x128xi32, #tpu.memory_space<vmem>>
      %dma_start3A_41 = tpu.memref_squeeze %dma_start3A_40 : memref<1x2x128xi32, #tpu.memory_space<vmem>> -> memref<2x128xi32, #tpu.memory_space<vmem>>
      %dma_start3A_42 = arith.constant 0 : i32
      %dma_start3A_43 = tpu.memref_slice %arg3[%dma_start3A_42, %mul3A_17] : memref<2x320000xi32, #tpu.memory_space<hbm>> -> memref<2x128xi32, #tpu.memory_space<hbm>>
      %dma_start3A_44 = arith.constant 0 : i32
      %dma_start3A_45 = arith.constant 0 : i32
      %dma_start3A_46 = tpu.memref_slice %arg6[%run_scoped3A, %dma_start3A_44, %dma_start3A_45] : memref<2x2x128xi32, #tpu.memory_space<vmem>> -> memref<1x2x128xi32, #tpu.memory_space<vmem>>
      %dma_start3A_47 = tpu.memref_squeeze %dma_start3A_46 : memref<1x2x128xi32, #tpu.memory_space<vmem>> -> memref<2x128xi32, #tpu.memory_space<vmem>>
      %dma_start3A_48 = arith.constant 0 : i32
      %dma_start3A_49 = tpu.memref_slice %arg3[%dma_start3A_48, %mul3A_17] : memref<2x320000xi32, #tpu.memory_space<hbm>> -> memref<2x128xi32, #tpu.memory_space<hbm>>
      tpu.enqueue_dma source(%dma_start3A_49 : memref<2x128xi32, #tpu.memory_space<hbm>>) target(%dma_start3A_47 : memref<2x128xi32, #tpu.memory_space<vmem>>) target_semaphore(%run_scoped3A_38 : memref<!tpu.dma_semaphore, #tpu.memory_space<semaphore_mem>>)
      %dma_wait3A = arith.constant 0 : i32
      %dma_wait3A_50 = arith.constant 0 : i32
      %dma_wait3A_51 = tpu.memref_slice %arg6[%run_scoped3A, %dma_wait3A, %dma_wait3A_50] : memref<2x2x128xi32, #tpu.memory_space<vmem>> -> memref<1x2x128xi32, #tpu.memory_space<vmem>>
      %dma_wait3A_52 = tpu.memref_squeeze %dma_wait3A_51 : memref<1x2x128xi32, #tpu.memory_space<vmem>> -> memref<2x128xi32, #tpu.memory_space<vmem>>
      %dma_wait3A_53 = arith.constant 0 : i32
      %dma_wait3A_54 = tpu.memref_slice %arg3[%dma_wait3A_53, %mul3A_17] : memref<2x320000xi32, #tpu.memory_space<hbm>> -> memref<2x128xi32, #tpu.memory_space<hbm>>
      %dma_wait3A_55 = arith.constant 0 : i32
      %dma_wait3A_56 = arith.constant 0 : i32
      %dma_wait3A_57 = tpu.memref_slice %arg6[%run_scoped3A, %dma_wait3A_55, %dma_wait3A_56] : memref<2x2x128xi32, #tpu.memory_space<vmem>> -> memref<1x2x128xi32, #tpu.memory_space<vmem>>
      %dma_wait3A_58 = tpu.memref_squeeze %dma_wait3A_57 : memref<1x2x128xi32, #tpu.memory_space<vmem>> -> memref<2x128xi32, #tpu.memory_space<vmem>>
      %dma_wait3A_59 = arith.constant 0 : i32
      %dma_wait3A_60 = tpu.memref_slice %arg3[%dma_wait3A_59, %mul3A_17] : memref<2x320000xi32, #tpu.memory_space<hbm>> -> memref<2x128xi32, #tpu.memory_space<hbm>>
      tpu.wait_dma2 semaphore(%run_scoped3A_38 : memref<!tpu.dma_semaphore, #tpu.memory_space<semaphore_mem>>) src(%dma_wait3A_60 : memref<2x128xi32, #tpu.memory_space<hbm>>) dst(%dma_wait3A_58 : memref<2x128xi32, #tpu.memory_space<vmem>>)
      tpu.yield
    }) : () -> ()
    %barrier3A = arith.constant 0 : index
    tpu.barrier barrier_id(%barrier3A)
    %while3A = arith.constant 0 : i32
    %while3A_18 = arith.constant 0 : i32
    %while3A_19 = arith.subi %select_n3A, %while3A_18 : i32
    %while3A_20 = arith.addi %while3A_18, %while3A_19 : i32
    %while3A_21 = arith.constant 1 : i32
    %while3A_22 = arith.divsi %while3A_19, %while3A_21 : i32
    %while3A_23 = arith.muli %while3A_22, %while3A_21 : i32
    %while3A_24 = arith.addi %while3A_18, %while3A_23 : i32
    %while3A_25 = arith.constant 1 : i32
    scf.for %while3A_38 = %while3A_18 to %while3A_24 step %while3A_25  : i32 {
      %rem3A = arith.constant 2 : i32
      %rem3A_39 = arith.remsi %while3A_38, %rem3A : i32
      %add3A_40 = arith.constant 1 : i32
      %add3A_41 = arith.addi %while3A_38, %add3A_40 : i32
      %lt3A_42 = arith.cmpi slt, %add3A_41, %select_n3A : i32
      %convert_element_type3A_43 = arith.extui %lt3A_42 : i1 to i32
      %cond3A_44 = arith.constant 0 : i32
      %cond3A_45 = arith.cmpi ne, %convert_element_type3A_43, %cond3A_44 : i32
      scf.if %cond3A_45 {
        %add3A_65 = arith.addi %add3A_8, %while3A_38 : i32
        %add3A_66 = arith.constant 1 : i32
        %add3A_67 = arith.addi %add3A_65, %add3A_66 : i32
        %mul3A_68 = arith.constant 128 : i32
        %mul3A_69 = arith.muli %add3A_67, %mul3A_68 : i32
        %sub3A = arith.constant 1 : i32
        %sub3A_70 = arith.subi %sub3A, %rem3A_39 : i32
        %dma_start3A_71 = arith.constant 0 : i32
        %dma_start3A_72 = arith.constant 0 : i32
        %dma_start3A_73 = tpu.memref_slice %arg6[%sub3A_70, %dma_start3A_71, %dma_start3A_72] : memref<2x2x128xi32, #tpu.memory_space<vmem>> -> memref<1x2x128xi32, #tpu.memory_space<vmem>>
        %dma_start3A_74 = tpu.memref_squeeze %dma_start3A_73 : memref<1x2x128xi32, #tpu.memory_space<vmem>> -> memref<2x128xi32, #tpu.memory_space<vmem>>
        %dma_start3A_75 = arith.constant 0 : i32
        %dma_start3A_76 = tpu.memref_slice %arg3[%dma_start3A_75, %mul3A_69] : memref<2x320000xi32, #tpu.memory_space<hbm>> -> memref<2x128xi32, #tpu.memory_space<hbm>>
        %dma_start3A_77 = arith.constant 0 : i32
        %dma_start3A_78 = arith.constant 0 : i32
        %dma_start3A_79 = tpu.memref_slice %arg6[%sub3A_70, %dma_start3A_77, %dma_start3A_78] : memref<2x2x128xi32, #tpu.memory_space<vmem>> -> memref<1x2x128xi32, #tpu.memory_space<vmem>>
        %dma_start3A_80 = tpu.memref_squeeze %dma_start3A_79 : memref<1x2x128xi32, #tpu.memory_space<vmem>> -> memref<2x128xi32, #tpu.memory_space<vmem>>
        %dma_start3A_81 = arith.constant 0 : i32
        %dma_start3A_82 = tpu.memref_slice %arg3[%dma_start3A_81, %mul3A_69] : memref<2x320000xi32, #tpu.memory_space<hbm>> -> memref<2x128xi32, #tpu.memory_space<hbm>>
        tpu.enqueue_dma source(%dma_start3A_82 : memref<2x128xi32, #tpu.memory_space<hbm>>) target(%dma_start3A_80 : memref<2x128xi32, #tpu.memory_space<vmem>>) target_semaphore(%arg10 : memref<!tpu.dma_semaphore, #tpu.memory_space<semaphore_mem>>)
      } else {
      }
      %dma_start3A = arith.constant 0 : i32
      %dma_start3A_46 = arith.constant 0 : i32
      %dma_start3A_47 = tpu.memref_slice %arg6[%rem3A_39, %dma_start3A, %dma_start3A_46] : memref<2x2x128xi32, #tpu.memory_space<vmem>> -> memref<1x1x128xi32, #tpu.memory_space<vmem>>
      %dma_start3A_48 = tpu.memref_squeeze %dma_start3A_47 : memref<1x1x128xi32, #tpu.memory_space<vmem>> -> memref<128xi32, #tpu.memory_space<vmem>>
      %dma_start3A_49 = arith.constant 0 : i32
      %dma_start3A_50 = arith.constant 0 : i32
      %dma_start3A_51 = tpu.memref_slice %arg2[%dma_start3A_49, %dma_start3A_50] : memref<10000x128xf32, #tpu.memory_space<hbm>> -> memref<10000x128xf32, #tpu.memory_space<hbm>>
      tpu.enqueue_indirect_dma source(%dma_start3A_51 : memref<10000x128xf32, #tpu.memory_space<hbm>>) target(%arg7 : memref<128x128xf32, #tpu.memory_space<vmem>>) offsets(%dma_start3A_48 : memref<128xi32, #tpu.memory_space<vmem>>) semaphore(%arg9 : memref<!tpu.dma_semaphore, #tpu.memory_space<semaphore_mem>>)
      %dma_wait3A = arith.constant 0 : i32
      %dma_wait3A_52 = arith.constant 0 : i32
      %dma_wait3A_53 = tpu.memref_slice %arg6[%rem3A_39, %dma_wait3A, %dma_wait3A_52] : memref<2x2x128xi32, #tpu.memory_space<vmem>> -> memref<1x1x128xi32, #tpu.memory_space<vmem>>
      %dma_wait3A_54 = tpu.memref_squeeze %dma_wait3A_53 : memref<1x1x128xi32, #tpu.memory_space<vmem>> -> memref<128xi32, #tpu.memory_space<vmem>>
      %dma_wait3A_55 = arith.constant 0 : i32
      %dma_wait3A_56 = arith.constant 0 : i32
      %dma_wait3A_57 = tpu.memref_slice %arg2[%dma_wait3A_55, %dma_wait3A_56] : memref<10000x128xf32, #tpu.memory_space<hbm>> -> memref<10000x128xf32, #tpu.memory_space<hbm>>
      tpu.wait_indirect_dma semaphore(%arg9 : memref<!tpu.dma_semaphore, #tpu.memory_space<semaphore_mem>>) src(%dma_wait3A_57 : memref<10000x128xf32, #tpu.memory_space<hbm>>) dst(%arg7 : memref<128x128xf32, #tpu.memory_space<vmem>>)
      %run_scoped3A_58 = arith.constant 1 : i32
      "tpu.region"() ({
        %run_scoped3A_65 = tpu.sem_alloc : memref<!tpu.dma_semaphore, #tpu.memory_space<semaphore_mem>>
        %dma_start3A_66 = arith.constant 0 : i32
        %dma_start3A_67 = tpu.memref_slice %arg6[%rem3A_39, %run_scoped3A_58, %dma_start3A_66] : memref<2x2x128xi32, #tpu.memory_space<vmem>> -> memref<1x1x128xi32, #tpu.memory_space<vmem>>
        %dma_start3A_68 = tpu.memref_squeeze %dma_start3A_67 : memref<1x1x128xi32, #tpu.memory_space<vmem>> -> memref<128xi32, #tpu.memory_space<vmem>>
        %dma_start3A_69 = arith.constant 0 : i32
        %dma_start3A_70 = arith.constant 0 : i32
        %dma_start3A_71 = tpu.memref_slice %arg8[%dma_start3A_69, %dma_start3A_70] : memref<10008x128xf32, #tpu.memory_space<vmem_shared>> -> memref<10008x128xf32, #tpu.memory_space<vmem_shared>>
        tpu.enqueue_indirect_dma source(%arg7 : memref<128x128xf32, #tpu.memory_space<vmem>>) target(%dma_start3A_71 : memref<10008x128xf32, #tpu.memory_space<vmem_shared>>) offsets(%dma_start3A_68 : memref<128xi32, #tpu.memory_space<vmem>>) semaphore(%run_scoped3A_65 : memref<!tpu.dma_semaphore, #tpu.memory_space<semaphore_mem>>) {add = true}
        %dma_wait3A_72 = arith.constant 0 : i32
        %dma_wait3A_73 = tpu.memref_slice %arg6[%rem3A_39, %run_scoped3A_58, %dma_wait3A_72] : memref<2x2x128xi32, #tpu.memory_space<vmem>> -> memref<1x1x128xi32, #tpu.memory_space<vmem>>
        %dma_wait3A_74 = tpu.memref_squeeze %dma_wait3A_73 : memref<1x1x128xi32, #tpu.memory_space<vmem>> -> memref<128xi32, #tpu.memory_space<vmem>>
        %dma_wait3A_75 = arith.constant 0 : i32
        %dma_wait3A_76 = arith.constant 0 : i32
        %dma_wait3A_77 = tpu.memref_slice %arg8[%dma_wait3A_75, %dma_wait3A_76] : memref<10008x128xf32, #tpu.memory_space<vmem_shared>> -> memref<10008x128xf32, #tpu.memory_space<vmem_shared>>
        tpu.wait_indirect_dma semaphore(%run_scoped3A_65 : memref<!tpu.dma_semaphore, #tpu.memory_space<semaphore_mem>>) src(%arg7 : memref<128x128xf32, #tpu.memory_space<vmem>>) dst(%dma_wait3A_77 : memref<10008x128xf32, #tpu.memory_space<vmem_shared>>)
        tpu.yield
      }) : () -> ()
      %add3A_59 = arith.constant 1 : i32
      %add3A_60 = arith.addi %while3A_38, %add3A_59 : i32
      %lt3A_61 = arith.cmpi slt, %add3A_60, %select_n3A : i32
      %convert_element_type3A_62 = arith.extui %lt3A_61 : i1 to i32
      %cond3A_63 = arith.constant 0 : i32
      %cond3A_64 = arith.cmpi ne, %convert_element_type3A_62, %cond3A_63 : i32
      scf.if %cond3A_64 {
        %add3A_65 = arith.addi %add3A_8, %while3A_38 : i32
        %add3A_66 = arith.constant 1 : i32
        %add3A_67 = arith.addi %add3A_65, %add3A_66 : i32
        %mul3A_68 = arith.constant 128 : i32
        %mul3A_69 = arith.muli %add3A_67, %mul3A_68 : i32
        %sub3A = arith.constant 1 : i32
        %sub3A_70 = arith.subi %sub3A, %rem3A_39 : i32
        %dma_wait3A_71 = arith.constant 0 : i32
        %dma_wait3A_72 = arith.constant 0 : i32
        %dma_wait3A_73 = tpu.memref_slice %arg6[%sub3A_70, %dma_wait3A_71, %dma_wait3A_72] : memref<2x2x128xi32, #tpu.memory_space<vmem>> -> memref<1x2x128xi32, #tpu.memory_space<vmem>>
        %dma_wait3A_74 = tpu.memref_squeeze %dma_wait3A_73 : memref<1x2x128xi32, #tpu.memory_space<vmem>> -> memref<2x128xi32, #tpu.memory_space<vmem>>
        %dma_wait3A_75 = arith.constant 0 : i32
        %dma_wait3A_76 = tpu.memref_slice %arg3[%dma_wait3A_75, %mul3A_69] : memref<2x320000xi32, #tpu.memory_space<hbm>> -> memref<2x128xi32, #tpu.memory_space<hbm>>
        %dma_wait3A_77 = arith.constant 0 : i32
        %dma_wait3A_78 = arith.constant 0 : i32
        %dma_wait3A_79 = tpu.memref_slice %arg6[%sub3A_70, %dma_wait3A_77, %dma_wait3A_78] : memref<2x2x128xi32, #tpu.memory_space<vmem>> -> memref<1x2x128xi32, #tpu.memory_space<vmem>>
        %dma_wait3A_80 = tpu.memref_squeeze %dma_wait3A_79 : memref<1x2x128xi32, #tpu.memory_space<vmem>> -> memref<2x128xi32, #tpu.memory_space<vmem>>
        %dma_wait3A_81 = arith.constant 0 : i32
        %dma_wait3A_82 = tpu.memref_slice %arg3[%dma_wait3A_81, %mul3A_69] : memref<2x320000xi32, #tpu.memory_space<hbm>> -> memref<2x128xi32, #tpu.memory_space<hbm>>
        tpu.wait_dma2 semaphore(%arg10 : memref<!tpu.dma_semaphore, #tpu.memory_space<semaphore_mem>>) src(%dma_wait3A_82 : memref<2x128xi32, #tpu.memory_space<hbm>>) dst(%dma_wait3A_80 : memref<2x128xi32, #tpu.memory_space<vmem>>)
      } else {
      }
    }
    %while3A_26 = arith.constant 1 : i32
    scf.for %while3A_38 = %while3A_24 to %while3A_20 step %while3A_26  : i32 {
      %rem3A = arith.constant 2 : i32
      %rem3A_39 = arith.remsi %while3A_38, %rem3A : i32
      %add3A_40 = arith.constant 1 : i32
      %add3A_41 = arith.addi %while3A_38, %add3A_40 : i32
      %lt3A_42 = arith.cmpi slt, %add3A_41, %select_n3A : i32
      %convert_element_type3A_43 = arith.extui %lt3A_42 : i1 to i32
      %cond3A_44 = arith.constant 0 : i32
      %cond3A_45 = arith.cmpi ne, %convert_element_type3A_43, %cond3A_44 : i32
      scf.if %cond3A_45 {
        %add3A_65 = arith.addi %add3A_8, %while3A_38 : i32
        %add3A_66 = arith.constant 1 : i32
        %add3A_67 = arith.addi %add3A_65, %add3A_66 : i32
        %mul3A_68 = arith.constant 128 : i32
        %mul3A_69 = arith.muli %add3A_67, %mul3A_68 : i32
        %sub3A = arith.constant 1 : i32
        %sub3A_70 = arith.subi %sub3A, %rem3A_39 : i32
        %dma_start3A_71 = arith.constant 0 : i32
        %dma_start3A_72 = arith.constant 0 : i32
        %dma_start3A_73 = tpu.memref_slice %arg6[%sub3A_70, %dma_start3A_71, %dma_start3A_72] : memref<2x2x128xi32, #tpu.memory_space<vmem>> -> memref<1x2x128xi32, #tpu.memory_space<vmem>>
        %dma_start3A_74 = tpu.memref_squeeze %dma_start3A_73 : memref<1x2x128xi32, #tpu.memory_space<vmem>> -> memref<2x128xi32, #tpu.memory_space<vmem>>
        %dma_start3A_75 = arith.constant 0 : i32
        %dma_start3A_76 = tpu.memref_slice %arg3[%dma_start3A_75, %mul3A_69] : memref<2x320000xi32, #tpu.memory_space<hbm>> -> memref<2x128xi32, #tpu.memory_space<hbm>>
        %dma_start3A_77 = arith.constant 0 : i32
        %dma_start3A_78 = arith.constant 0 : i32
        %dma_start3A_79 = tpu.memref_slice %arg6[%sub3A_70, %dma_start3A_77, %dma_start3A_78] : memref<2x2x128xi32, #tpu.memory_space<vmem>> -> memref<1x2x128xi32, #tpu.memory_space<vmem>>
        %dma_start3A_80 = tpu.memref_squeeze %dma_start3A_79 : memref<1x2x128xi32, #tpu.memory_space<vmem>> -> memref<2x128xi32, #tpu.memory_space<vmem>>
        %dma_start3A_81 = arith.constant 0 : i32
        %dma_start3A_82 = tpu.memref_slice %arg3[%dma_start3A_81, %mul3A_69] : memref<2x320000xi32, #tpu.memory_space<hbm>> -> memref<2x128xi32, #tpu.memory_space<hbm>>
        tpu.enqueue_dma source(%dma_start3A_82 : memref<2x128xi32, #tpu.memory_space<hbm>>) target(%dma_start3A_80 : memref<2x128xi32, #tpu.memory_space<vmem>>) target_semaphore(%arg10 : memref<!tpu.dma_semaphore, #tpu.memory_space<semaphore_mem>>)
      } else {
      }
      %dma_start3A = arith.constant 0 : i32
      %dma_start3A_46 = arith.constant 0 : i32
      %dma_start3A_47 = tpu.memref_slice %arg6[%rem3A_39, %dma_start3A, %dma_start3A_46] : memref<2x2x128xi32, #tpu.memory_space<vmem>> -> memref<1x1x128xi32, #tpu.memory_space<vmem>>
      %dma_start3A_48 = tpu.memref_squeeze %dma_start3A_47 : memref<1x1x128xi32, #tpu.memory_space<vmem>> -> memref<128xi32, #tpu.memory_space<vmem>>
      %dma_start3A_49 = arith.constant 0 : i32
      %dma_start3A_50 = arith.constant 0 : i32
      %dma_start3A_51 = tpu.memref_slice %arg2[%dma_start3A_49, %dma_start3A_50] : memref<10000x128xf32, #tpu.memory_space<hbm>> -> memref<10000x128xf32, #tpu.memory_space<hbm>>
      tpu.enqueue_indirect_dma source(%dma_start3A_51 : memref<10000x128xf32, #tpu.memory_space<hbm>>) target(%arg7 : memref<128x128xf32, #tpu.memory_space<vmem>>) offsets(%dma_start3A_48 : memref<128xi32, #tpu.memory_space<vmem>>) semaphore(%arg9 : memref<!tpu.dma_semaphore, #tpu.memory_space<semaphore_mem>>)
      %dma_wait3A = arith.constant 0 : i32
      %dma_wait3A_52 = arith.constant 0 : i32
      %dma_wait3A_53 = tpu.memref_slice %arg6[%rem3A_39, %dma_wait3A, %dma_wait3A_52] : memref<2x2x128xi32, #tpu.memory_space<vmem>> -> memref<1x1x128xi32, #tpu.memory_space<vmem>>
      %dma_wait3A_54 = tpu.memref_squeeze %dma_wait3A_53 : memref<1x1x128xi32, #tpu.memory_space<vmem>> -> memref<128xi32, #tpu.memory_space<vmem>>
      %dma_wait3A_55 = arith.constant 0 : i32
      %dma_wait3A_56 = arith.constant 0 : i32
      %dma_wait3A_57 = tpu.memref_slice %arg2[%dma_wait3A_55, %dma_wait3A_56] : memref<10000x128xf32, #tpu.memory_space<hbm>> -> memref<10000x128xf32, #tpu.memory_space<hbm>>
      tpu.wait_indirect_dma semaphore(%arg9 : memref<!tpu.dma_semaphore, #tpu.memory_space<semaphore_mem>>) src(%dma_wait3A_57 : memref<10000x128xf32, #tpu.memory_space<hbm>>) dst(%arg7 : memref<128x128xf32, #tpu.memory_space<vmem>>)
      %run_scoped3A_58 = arith.constant 1 : i32
      "tpu.region"() ({
        %run_scoped3A_65 = tpu.sem_alloc : memref<!tpu.dma_semaphore, #tpu.memory_space<semaphore_mem>>
        %dma_start3A_66 = arith.constant 0 : i32
        %dma_start3A_67 = tpu.memref_slice %arg6[%rem3A_39, %run_scoped3A_58, %dma_start3A_66] : memref<2x2x128xi32, #tpu.memory_space<vmem>> -> memref<1x1x128xi32, #tpu.memory_space<vmem>>
        %dma_start3A_68 = tpu.memref_squeeze %dma_start3A_67 : memref<1x1x128xi32, #tpu.memory_space<vmem>> -> memref<128xi32, #tpu.memory_space<vmem>>
        %dma_start3A_69 = arith.constant 0 : i32
        %dma_start3A_70 = arith.constant 0 : i32
        %dma_start3A_71 = tpu.memref_slice %arg8[%dma_start3A_69, %dma_start3A_70] : memref<10008x128xf32, #tpu.memory_space<vmem_shared>> -> memref<10008x128xf32, #tpu.memory_space<vmem_shared>>
        tpu.enqueue_indirect_dma source(%arg7 : memref<128x128xf32, #tpu.memory_space<vmem>>) target(%dma_start3A_71 : memref<10008x128xf32, #tpu.memory_space<vmem_shared>>) offsets(%dma_start3A_68 : memref<128xi32, #tpu.memory_space<vmem>>) semaphore(%run_scoped3A_65 : memref<!tpu.dma_semaphore, #tpu.memory_space<semaphore_mem>>) {add = true}
        %dma_wait3A_72 = arith.constant 0 : i32
        %dma_wait3A_73 = tpu.memref_slice %arg6[%rem3A_39, %run_scoped3A_58, %dma_wait3A_72] : memref<2x2x128xi32, #tpu.memory_space<vmem>> -> memref<1x1x128xi32, #tpu.memory_space<vmem>>
        %dma_wait3A_74 = tpu.memref_squeeze %dma_wait3A_73 : memref<1x1x128xi32, #tpu.memory_space<vmem>> -> memref<128xi32, #tpu.memory_space<vmem>>
        %dma_wait3A_75 = arith.constant 0 : i32
        %dma_wait3A_76 = arith.constant 0 : i32
        %dma_wait3A_77 = tpu.memref_slice %arg8[%dma_wait3A_75, %dma_wait3A_76] : memref<10008x128xf32, #tpu.memory_space<vmem_shared>> -> memref<10008x128xf32, #tpu.memory_space<vmem_shared>>
        tpu.wait_indirect_dma semaphore(%run_scoped3A_65 : memref<!tpu.dma_semaphore, #tpu.memory_space<semaphore_mem>>) src(%arg7 : memref<128x128xf32, #tpu.memory_space<vmem>>) dst(%dma_wait3A_77 : memref<10008x128xf32, #tpu.memory_space<vmem_shared>>)
        tpu.yield
      }) : () -> ()
      %add3A_59 = arith.constant 1 : i32
      %add3A_60 = arith.addi %while3A_38, %add3A_59 : i32
      %lt3A_61 = arith.cmpi slt, %add3A_60, %select_n3A : i32
      %convert_element_type3A_62 = arith.extui %lt3A_61 : i1 to i32
      %cond3A_63 = arith.constant 0 : i32
      %cond3A_64 = arith.cmpi ne, %convert_element_type3A_62, %cond3A_63 : i32
      scf.if %cond3A_64 {
        %add3A_65 = arith.addi %add3A_8, %while3A_38 : i32
        %add3A_66 = arith.constant 1 : i32
        %add3A_67 = arith.addi %add3A_65, %add3A_66 : i32
        %mul3A_68 = arith.constant 128 : i32
        %mul3A_69 = arith.muli %add3A_67, %mul3A_68 : i32
        %sub3A = arith.constant 1 : i32
        %sub3A_70 = arith.subi %sub3A, %rem3A_39 : i32
        %dma_wait3A_71 = arith.constant 0 : i32
        %dma_wait3A_72 = arith.constant 0 : i32
        %dma_wait3A_73 = tpu.memref_slice %arg6[%sub3A_70, %dma_wait3A_71, %dma_wait3A_72] : memref<2x2x128xi32, #tpu.memory_space<vmem>> -> memref<1x2x128xi32, #tpu.memory_space<vmem>>
        %dma_wait3A_74 = tpu.memref_squeeze %dma_wait3A_73 : memref<1x2x128xi32, #tpu.memory_space<vmem>> -> memref<2x128xi32, #tpu.memory_space<vmem>>
        %dma_wait3A_75 = arith.constant 0 : i32
        %dma_wait3A_76 = tpu.memref_slice %arg3[%dma_wait3A_75, %mul3A_69] : memref<2x320000xi32, #tpu.memory_space<hbm>> -> memref<2x128xi32, #tpu.memory_space<hbm>>
        %dma_wait3A_77 = arith.constant 0 : i32
        %dma_wait3A_78 = arith.constant 0 : i32
        %dma_wait3A_79 = tpu.memref_slice %arg6[%sub3A_70, %dma_wait3A_77, %dma_wait3A_78] : memref<2x2x128xi32, #tpu.memory_space<vmem>> -> memref<1x2x128xi32, #tpu.memory_space<vmem>>
        %dma_wait3A_80 = tpu.memref_squeeze %dma_wait3A_79 : memref<1x2x128xi32, #tpu.memory_space<vmem>> -> memref<2x128xi32, #tpu.memory_space<vmem>>
        %dma_wait3A_81 = arith.constant 0 : i32
        %dma_wait3A_82 = tpu.memref_slice %arg3[%dma_wait3A_81, %mul3A_69] : memref<2x320000xi32, #tpu.memory_space<hbm>> -> memref<2x128xi32, #tpu.memory_space<hbm>>
        tpu.wait_dma2 semaphore(%arg10 : memref<!tpu.dma_semaphore, #tpu.memory_space<semaphore_mem>>) src(%dma_wait3A_82 : memref<2x128xi32, #tpu.memory_space<hbm>>) dst(%dma_wait3A_80 : memref<2x128xi32, #tpu.memory_space<vmem>>)
      } else {
      }
    }
    %barrier3A_27 = arith.constant 0 : index
    tpu.barrier barrier_id(%barrier3A_27)
    %lt3A_28 = arith.constant 15 : i32
    %lt3A_29 = arith.cmpi slt, %arg1, %lt3A_28 : i32
    %convert_element_type3A_30 = arith.extui %lt3A_29 : i1 to i32
    %cond3A_31 = arith.constant 0 : i32
    %cond3A_32 = arith.cmpi ne, %convert_element_type3A_30, %cond3A_31 : i32
    scf.if %cond3A_32 {
      "tpu.region"() ({
        %run_scoped3A_38 = tpu.sem_alloc : memref<!tpu.dma_semaphore, #tpu.memory_space<semaphore_mem>>
        %dma_start3A = arith.constant 0 : i32
        %dma_start3A_39 = tpu.memref_slice %arg5[%arg0, %mul3A_2, %dma_start3A] : memref<2x10112x128xf32, #tpu.memory_space<hbm>> -> memref<1x632x128xf32, #tpu.memory_space<hbm>>
        %dma_start3A_40 = tpu.memref_squeeze %dma_start3A_39 : memref<1x632x128xf32, #tpu.memory_space<hbm>> -> memref<632x128xf32, #tpu.memory_space<hbm>>
        %dma_start3A_41 = arith.constant 0 : i32
        %dma_start3A_42 = tpu.memref_slice %arg8[%mul3A_2, %dma_start3A_41] : memref<10008x128xf32, #tpu.memory_space<vmem_shared>> -> memref<632x128xf32, #tpu.memory_space<vmem_shared>>
        tpu.enqueue_dma source(%dma_start3A_42 : memref<632x128xf32, #tpu.memory_space<vmem_shared>>) target(%dma_start3A_40 : memref<632x128xf32, #tpu.memory_space<hbm>>) target_semaphore(%run_scoped3A_38 : memref<!tpu.dma_semaphore, #tpu.memory_space<semaphore_mem>>)
        %dma_wait3A = arith.constant 0 : i32
        %dma_wait3A_43 = tpu.memref_slice %arg5[%arg0, %mul3A_2, %dma_wait3A] : memref<2x10112x128xf32, #tpu.memory_space<hbm>> -> memref<1x632x128xf32, #tpu.memory_space<hbm>>
        %dma_wait3A_44 = tpu.memref_squeeze %dma_wait3A_43 : memref<1x632x128xf32, #tpu.memory_space<hbm>> -> memref<632x128xf32, #tpu.memory_space<hbm>>
        %dma_wait3A_45 = arith.constant 0 : i32
        %dma_wait3A_46 = tpu.memref_slice %arg8[%mul3A_2, %dma_wait3A_45] : memref<10008x128xf32, #tpu.memory_space<vmem_shared>> -> memref<632x128xf32, #tpu.memory_space<vmem_shared>>
        tpu.wait_dma2 semaphore(%run_scoped3A_38 : memref<!tpu.dma_semaphore, #tpu.memory_space<semaphore_mem>>) src(%dma_wait3A_46 : memref<632x128xf32, #tpu.memory_space<vmem_shared>>) dst(%dma_wait3A_44 : memref<632x128xf32, #tpu.memory_space<hbm>>)
        tpu.yield
      }) : () -> ()
    } else {
    }
    %eq3A_33 = arith.constant 15 : i32
    %eq3A_34 = arith.cmpi eq, %arg1, %eq3A_33 : i32
    %convert_element_type3A_35 = arith.extui %eq3A_34 : i1 to i32
    %cond3A_36 = arith.constant 0 : i32
    %cond3A_37 = arith.cmpi ne, %convert_element_type3A_35, %cond3A_36 : i32
    scf.if %cond3A_37 {
      "tpu.region"() ({
        %run_scoped3A_38 = tpu.sem_alloc : memref<!tpu.dma_semaphore, #tpu.memory_space<semaphore_mem>>
        %dma_start3A = arith.constant 0 : i32
        %dma_start3A_39 = tpu.memref_slice %arg5[%arg0, %mul3A_2, %dma_start3A] : memref<2x10112x128xf32, #tpu.memory_space<hbm>> -> memref<1x528x128xf32, #tpu.memory_space<hbm>>
        %dma_start3A_40 = tpu.memref_squeeze %dma_start3A_39 : memref<1x528x128xf32, #tpu.memory_space<hbm>> -> memref<528x128xf32, #tpu.memory_space<hbm>>
        %dma_start3A_41 = arith.constant 0 : i32
        %dma_start3A_42 = tpu.memref_slice %arg8[%mul3A_2, %dma_start3A_41] : memref<10008x128xf32, #tpu.memory_space<vmem_shared>> -> memref<528x128xf32, #tpu.memory_space<vmem_shared>>
        tpu.enqueue_dma source(%dma_start3A_42 : memref<528x128xf32, #tpu.memory_space<vmem_shared>>) target(%dma_start3A_40 : memref<528x128xf32, #tpu.memory_space<hbm>>) target_semaphore(%run_scoped3A_38 : memref<!tpu.dma_semaphore, #tpu.memory_space<semaphore_mem>>)
        %dma_wait3A = arith.constant 0 : i32
        %dma_wait3A_43 = tpu.memref_slice %arg5[%arg0, %mul3A_2, %dma_wait3A] : memref<2x10112x128xf32, #tpu.memory_space<hbm>> -> memref<1x528x128xf32, #tpu.memory_space<hbm>>
        %dma_wait3A_44 = tpu.memref_squeeze %dma_wait3A_43 : memref<1x528x128xf32, #tpu.memory_space<hbm>> -> memref<528x128xf32, #tpu.memory_space<hbm>>
        %dma_wait3A_45 = arith.constant 0 : i32
        %dma_wait3A_46 = tpu.memref_slice %arg8[%mul3A_2, %dma_wait3A_45] : memref<10008x128xf32, #tpu.memory_space<vmem_shared>> -> memref<528x128xf32, #tpu.memory_space<vmem_shared>>
        tpu.wait_dma2 semaphore(%run_scoped3A_38 : memref<!tpu.dma_semaphore, #tpu.memory_space<semaphore_mem>>) src(%dma_wait3A_46 : memref<528x128xf32, #tpu.memory_space<vmem_shared>>) dst(%dma_wait3A_44 : memref<528x128xf32, #tpu.memory_space<hbm>>)
        tpu.yield
      }) : () -> ()
    } else {
    }
    return
  }
}

#map = affine_map<(d0, d1) -> (0)>
#map1 = affine_map<(d0, d1) -> (0, 0)>
module attributes {stable_mosaic.version = 14 : i64} {
  func.func @_sc_segsum_narrow(%arg0: i32, %arg1: i32, %arg2: memref<16384xf32, #tpu.memory_space<hbm>>, %arg3: memref<2x320000xi32, #tpu.memory_space<hbm>>, %arg4: memref<16384xf32, #tpu.memory_space<hbm>>, %arg5: memref<524288xf32, #tpu.memory_space<hbm>>, %arg6: memref<2x9984xi32, #tpu.memory_space<vmem>>, %arg7: memref<2x128xi32, #tpu.memory_space<vmem>>, %arg8: memref<16384xf32, #tpu.memory_space<vmem>>, %arg9: memref<16384xf32, #tpu.memory_space<vmem>>) attributes {dimension_semantics = [#tpu.dimension_semantics<core_parallel>, #tpu.dimension_semantics<subcore_parallel>], iteration_bounds = array<i64: 2, 16>, scalar_prefetch = 0 : i64, scratch_operands = 4 : i64, tpu.core_type = #tpu.core_type<sc_vector_subcore>, window_params = [{transform_indices = #map}, {transform_indices = #map1}, {transform_indices = #map}, {transform_indices = #map}]} {
    %mul3A = arith.constant 16 : i32
    %mul3A_0 = arith.muli %arg0, %mul3A : i32
    %add3A = arith.addi %mul3A_0, %arg1 : i32
    %mul3A_1 = arith.constant 78 : i32
    %mul3A_2 = arith.muli %add3A, %mul3A_1 : i32
    %min3A = arith.constant 4 : i32
    %min3A_3 = arith.minsi %add3A, %min3A : i32
    %add3A_4 = arith.addi %mul3A_2, %min3A_3 : i32
    %mul3A_5 = arith.constant 128 : i32
    %mul3A_6 = arith.muli %add3A_4, %mul3A_5 : i32
    "tpu.region"() ({
      %run_scoped3A = tpu.sem_alloc : memref<!tpu.dma_semaphore, #tpu.memory_space<semaphore_mem>>
      %dma_start3A = arith.constant 0 : i32
      %dma_start3A_21 = tpu.memref_slice %arg3[%dma_start3A, %mul3A_6] : memref<2x320000xi32, #tpu.memory_space<hbm>> -> memref<2x9984xi32, #tpu.memory_space<hbm>>
      %dma_start3A_22 = arith.constant 0 : i32
      %dma_start3A_23 = tpu.memref_slice %arg3[%dma_start3A_22, %mul3A_6] : memref<2x320000xi32, #tpu.memory_space<hbm>> -> memref<2x9984xi32, #tpu.memory_space<hbm>>
      tpu.enqueue_dma source(%dma_start3A_23 : memref<2x9984xi32, #tpu.memory_space<hbm>>) target(%arg6 : memref<2x9984xi32, #tpu.memory_space<vmem>>) target_semaphore(%run_scoped3A : memref<!tpu.dma_semaphore, #tpu.memory_space<semaphore_mem>>)
      %dma_wait3A = arith.constant 0 : i32
      %dma_wait3A_24 = tpu.memref_slice %arg3[%dma_wait3A, %mul3A_6] : memref<2x320000xi32, #tpu.memory_space<hbm>> -> memref<2x9984xi32, #tpu.memory_space<hbm>>
      %dma_wait3A_25 = arith.constant 0 : i32
      %dma_wait3A_26 = tpu.memref_slice %arg3[%dma_wait3A_25, %mul3A_6] : memref<2x320000xi32, #tpu.memory_space<hbm>> -> memref<2x9984xi32, #tpu.memory_space<hbm>>
      tpu.wait_dma2 semaphore(%run_scoped3A : memref<!tpu.dma_semaphore, #tpu.memory_space<semaphore_mem>>) src(%dma_wait3A_26 : memref<2x9984xi32, #tpu.memory_space<hbm>>) dst(%arg6 : memref<2x9984xi32, #tpu.memory_space<vmem>>)
      tpu.yield
    }) : () -> ()
    %lt3A = arith.constant 4 : i32
    %lt3A_7 = arith.cmpi slt, %add3A, %lt3A : i32
    %convert_element_type3A = arith.extui %lt3A_7 : i1 to i32
    %cond3A = arith.constant 0 : i32
    %cond3A_8 = arith.cmpi ne, %convert_element_type3A, %cond3A : i32
    scf.if %cond3A_8 {
      %add3A_21 = arith.constant 78 : i32
      %add3A_22 = arith.addi %add3A_4, %add3A_21 : i32
      %mul3A_23 = arith.constant 128 : i32
      %mul3A_24 = arith.muli %add3A_22, %mul3A_23 : i32
      "tpu.region"() ({
        %run_scoped3A = tpu.sem_alloc : memref<!tpu.dma_semaphore, #tpu.memory_space<semaphore_mem>>
        %dma_start3A = arith.constant 0 : i32
        %dma_start3A_25 = tpu.memref_slice %arg3[%dma_start3A, %mul3A_24] : memref<2x320000xi32, #tpu.memory_space<hbm>> -> memref<2x128xi32, #tpu.memory_space<hbm>>
        %dma_start3A_26 = arith.constant 0 : i32
        %dma_start3A_27 = tpu.memref_slice %arg3[%dma_start3A_26, %mul3A_24] : memref<2x320000xi32, #tpu.memory_space<hbm>> -> memref<2x128xi32, #tpu.memory_space<hbm>>
        tpu.enqueue_dma source(%dma_start3A_27 : memref<2x128xi32, #tpu.memory_space<hbm>>) target(%arg7 : memref<2x128xi32, #tpu.memory_space<vmem>>) target_semaphore(%run_scoped3A : memref<!tpu.dma_semaphore, #tpu.memory_space<semaphore_mem>>)
        %dma_wait3A = arith.constant 0 : i32
        %dma_wait3A_28 = tpu.memref_slice %arg3[%dma_wait3A, %mul3A_24] : memref<2x320000xi32, #tpu.memory_space<hbm>> -> memref<2x128xi32, #tpu.memory_space<hbm>>
        %dma_wait3A_29 = arith.constant 0 : i32
        %dma_wait3A_30 = tpu.memref_slice %arg3[%dma_wait3A_29, %mul3A_24] : memref<2x320000xi32, #tpu.memory_space<hbm>> -> memref<2x128xi32, #tpu.memory_space<hbm>>
        tpu.wait_dma2 semaphore(%run_scoped3A : memref<!tpu.dma_semaphore, #tpu.memory_space<semaphore_mem>>) src(%dma_wait3A_30 : memref<2x128xi32, #tpu.memory_space<hbm>>) dst(%arg7 : memref<2x128xi32, #tpu.memory_space<vmem>>)
        tpu.yield
      }) : () -> ()
    } else {
    }
    "tpu.region"() ({
      %run_scoped3A = tpu.sem_alloc : memref<!tpu.dma_semaphore, #tpu.memory_space<semaphore_mem>>
      tpu.enqueue_dma source(%arg2 : memref<16384xf32, #tpu.memory_space<hbm>>) target(%arg8 : memref<16384xf32, #tpu.memory_space<vmem>>) target_semaphore(%run_scoped3A : memref<!tpu.dma_semaphore, #tpu.memory_space<semaphore_mem>>)
      tpu.wait_dma2 semaphore(%run_scoped3A : memref<!tpu.dma_semaphore, #tpu.memory_space<semaphore_mem>>) src(%arg2 : memref<16384xf32, #tpu.memory_space<hbm>>) dst(%arg8 : memref<16384xf32, #tpu.memory_space<vmem>>)
      tpu.yield
    }) : () -> ()
    "tpu.region"() ({
      %run_scoped3A = tpu.sem_alloc : memref<!tpu.dma_semaphore, #tpu.memory_space<semaphore_mem>>
      tpu.enqueue_dma source(%arg4 : memref<16384xf32, #tpu.memory_space<hbm>>) target(%arg9 : memref<16384xf32, #tpu.memory_space<vmem>>) target_semaphore(%run_scoped3A : memref<!tpu.dma_semaphore, #tpu.memory_space<semaphore_mem>>)
      tpu.wait_dma2 semaphore(%run_scoped3A : memref<!tpu.dma_semaphore, #tpu.memory_space<semaphore_mem>>) src(%arg4 : memref<16384xf32, #tpu.memory_space<hbm>>) dst(%arg9 : memref<16384xf32, #tpu.memory_space<vmem>>)
      tpu.yield
    }) : () -> ()
    %scan3A = arith.constant 0 : i32
    %scan3A_9 = arith.constant 0 : i32
    %scan3A_10 = arith.constant 624 : i32
    %scan3A_11 = arith.addi %scan3A_9, %scan3A_10 : i32
    %scan3A_12 = arith.constant 1 : i32
    scf.for %scan3A_21 = %scan3A_9 to %scan3A_11 step %scan3A_12  : i32 {
      %mul3A_22 = arith.constant 16 : i32
      %mul3A_23 = arith.muli %scan3A_21, %mul3A_22 : i32
      %get3A = arith.constant 0 : i32
      %get3A_24 = arith.index_cast %get3A : i32 to index
      %get3A_25 = arith.index_cast %mul3A_23 : i32 to index
      %get3A_26 = tpu.vector_load %arg6[%get3A_24, %get3A_25] {strides = array<i32>} : memref<2x9984xi32, #tpu.memory_space<vmem>>, vector<16xi32>,
      %mul3A_27 = arith.constant 16 : i32
      %mul3A_28 = arith.muli %scan3A_21, %mul3A_27 : i32
      %get3A_29 = arith.constant 1 : i32
      %get3A_30 = arith.index_cast %get3A_29 : i32 to index
      %get3A_31 = arith.index_cast %mul3A_28 : i32 to index
      %get3A_32 = tpu.vector_load %arg6[%get3A_30, %get3A_31] {strides = array<i32>} : memref<2x9984xi32, #tpu.memory_space<vmem>>, vector<16xi32>,
      %gather3A = tpu.vector_load_idx %arg8[%get3A_26] : memref<16384xf32, #tpu.memory_space<vmem>>[vector<16xi32>], vector<16xf32>,
      tpu.vector_store_idx %arg9[%get3A_32], %gather3A {add = true} : memref<16384xf32, #tpu.memory_space<vmem>>[vector<16xi32>], vector<16xf32>,
    }
    %scan3A_13 = arith.constant 624 : i32
    %lt3A_14 = arith.constant 4 : i32
    %lt3A_15 = arith.cmpi slt, %add3A, %lt3A_14 : i32
    %convert_element_type3A_16 = arith.extui %lt3A_15 : i1 to i32
    %cond3A_17 = arith.constant 0 : i32
    %cond3A_18 = arith.cmpi ne, %convert_element_type3A_16, %cond3A_17 : i32
    scf.if %cond3A_18 {
      %scan3A_21 = arith.constant 0 : i32
      %scan3A_22 = arith.constant 0 : i32
      %scan3A_23 = arith.constant 8 : i32
      %scan3A_24 = arith.addi %scan3A_22, %scan3A_23 : i32
      %scan3A_25 = arith.constant 1 : i32
      scf.for %scan3A_27 = %scan3A_22 to %scan3A_24 step %scan3A_25  : i32 {
        %mul3A_28 = arith.constant 16 : i32
        %mul3A_29 = arith.muli %scan3A_27, %mul3A_28 : i32
        %get3A = arith.constant 0 : i32
        %get3A_30 = arith.index_cast %get3A : i32 to index
        %get3A_31 = arith.index_cast %mul3A_29 : i32 to index
        %get3A_32 = tpu.vector_load %arg7[%get3A_30, %get3A_31] {strides = array<i32>} : memref<2x128xi32, #tpu.memory_space<vmem>>, vector<16xi32>,
        %mul3A_33 = arith.constant 16 : i32
        %mul3A_34 = arith.muli %scan3A_27, %mul3A_33 : i32
        %get3A_35 = arith.constant 1 : i32
        %get3A_36 = arith.index_cast %get3A_35 : i32 to index
        %get3A_37 = arith.index_cast %mul3A_34 : i32 to index
        %get3A_38 = tpu.vector_load %arg7[%get3A_36, %get3A_37] {strides = array<i32>} : memref<2x128xi32, #tpu.memory_space<vmem>>, vector<16xi32>,
        %gather3A = tpu.vector_load_idx %arg8[%get3A_32] : memref<16384xf32, #tpu.memory_space<vmem>>[vector<16xi32>], vector<16xf32>,
        tpu.vector_store_idx %arg9[%get3A_38], %gather3A {add = true} : memref<16384xf32, #tpu.memory_space<vmem>>[vector<16xi32>], vector<16xf32>,
      }
      %scan3A_26 = arith.constant 8 : i32
    } else {
    }
    %mul3A_19 = arith.constant 16384 : i32
    %mul3A_20 = arith.muli %add3A, %mul3A_19 : i32
    "tpu.region"() ({
      %run_scoped3A = tpu.sem_alloc : memref<!tpu.dma_semaphore, #tpu.memory_space<semaphore_mem>>
      %dma_start3A = tpu.memref_slice %arg5[%mul3A_20] : memref<524288xf32, #tpu.memory_space<hbm>> -> memref<16384xf32, #tpu.memory_space<hbm>>
      %dma_start3A_21 = tpu.memref_slice %arg5[%mul3A_20] : memref<524288xf32, #tpu.memory_space<hbm>> -> memref<16384xf32, #tpu.memory_space<hbm>>
      tpu.enqueue_dma source(%arg9 : memref<16384xf32, #tpu.memory_space<vmem>>) target(%dma_start3A_21 : memref<16384xf32, #tpu.memory_space<hbm>>) target_semaphore(%run_scoped3A : memref<!tpu.dma_semaphore, #tpu.memory_space<semaphore_mem>>)
      %dma_wait3A = tpu.memref_slice %arg5[%mul3A_20] : memref<524288xf32, #tpu.memory_space<hbm>> -> memref<16384xf32, #tpu.memory_space<hbm>>
      %dma_wait3A_22 = tpu.memref_slice %arg5[%mul3A_20] : memref<524288xf32, #tpu.memory_space<hbm>> -> memref<16384xf32, #tpu.memory_space<hbm>>
      tpu.wait_dma2 semaphore(%run_scoped3A : memref<!tpu.dma_semaphore, #tpu.memory_space<semaphore_mem>>) src(%arg9 : memref<16384xf32, #tpu.memory_space<vmem>>) dst(%dma_wait3A_22 : memref<16384xf32, #tpu.memory_space<hbm>>)
      tpu.yield
    }) : () -> ()
    return
  }
}

module attributes {stable_mosaic.version = 14 : i64} {
  func.func @_tc_pre_body(%arg0: i32, %arg1: memref<2000x128xf32, #tpu.memory_space<vmem>>, %arg2: memref<128x128xf32, #tpu.memory_space<vmem>>, %arg3: memref<2000x128xf32, #tpu.memory_space<vmem>>) attributes {dimension_semantics = [#tpu.dimension_semantics<arbitrary>], iteration_bounds = array<i64: 5>, scalar_prefetch = 0 : i64, scratch_operands = 0 : i64, tpu.core_type = #tpu.core_type<tc>, window_params = [{transform_indices = @transform_0, window_bounds = array<i64: 2000, 128>}, {pipeline_mode = #tpu.pipeline_mode<synchronous>, transform_indices = @transform_1, window_bounds = array<i64: 128, 128>}, {transform_indices = @transform_2, window_bounds = array<i64: 2000, 128>}]} {
    %get3A = arith.constant 0 : index
    %get3A_0 = arith.constant 0 : index
    %get3A_1 = vector.load %arg1[%get3A, %get3A_0] : memref<2000x128xf32, #tpu.memory_space<vmem>>, vector<2000x128xf32>
    %convert_element_type3A = arith.truncf %get3A_1 : vector<2000x128xf32> to vector<2000x128xbf16>
    %get3A_2 = arith.constant 0 : index
    %get3A_3 = arith.constant 0 : index
    %get3A_4 = vector.load %arg2[%get3A_2, %get3A_3] : memref<128x128xf32, #tpu.memory_space<vmem>>, vector<128x128xf32>
    %convert_element_type3A_5 = arith.truncf %get3A_4 : vector<128x128xf32> to vector<128x128xbf16>
    %dot_general3A = arith.constant dense<0.000000e+00> : vector<2000x128xf32>
    %dot_general3A_6 = tpu.matmul %convert_element_type3A, %convert_element_type3A_5, %dot_general3A {dimension_numbers = #tpu.dot_dimension_numbers<[1], [0], [0], [1], [0, 0, 1, 1], [], []>, transpose_lhs_hint = false} : vector<2000x128xbf16>, vector<128x128xbf16>, vector<2000x128xf32> -> vector<2000x128xf32>
    %swap3A = arith.constant 0 : index
    %swap3A_7 = arith.constant 0 : index
    %swap3A_8 = vector.load %arg3[%swap3A, %swap3A_7] : memref<2000x128xf32, #tpu.memory_space<vmem>>, vector<2000x128xf32>
    tpu.vector_store %arg3[%swap3A, %swap3A_7], %dot_general3A_6 {strides = array<i32>} : memref<2000x128xf32, #tpu.memory_space<vmem>>, vector<2000x128xf32>,
    return
  }
  func.func @transform_0(%arg0: i32) -> (i32, i32) {
    %c0_i32 = arith.constant 0 : i32
    %c0_i32_0 = arith.constant 0 : i32
    return %arg0, %c0_i32 : i32, i32
  }
  func.func @transform_1(%arg0: i32) -> (i32, i32) {
    %c0_i32 = arith.constant 0 : i32
    %c0_i32_0 = arith.constant 0 : i32
    %c0_i32_1 = arith.constant 0 : i32
    return %c0_i32, %c0_i32_0 : i32, i32
  }
  func.func @transform_2(%arg0: i32) -> (i32, i32) {
    %c0_i32 = arith.constant 0 : i32
    %c0_i32_0 = arith.constant 0 : i32
    return %arg0, %c0_i32 : i32, i32
  }
}

module attributes {stable_mosaic.version = 14 : i64} {
  func.func @_tc_body(%arg0: i32, %arg1: memref<1264x128xf32, #tpu.memory_space<vmem>>, %arg2: memref<1264x128xf32, #tpu.memory_space<vmem>>, %arg3: memref<128x16xf32, #tpu.memory_space<vmem>>, %arg4: memref<1264x16xf32, #tpu.memory_space<vmem>>) attributes {dimension_semantics = [#tpu.dimension_semantics<arbitrary>], iteration_bounds = array<i64: 8>, scalar_prefetch = 0 : i64, scratch_operands = 0 : i64, tpu.core_type = #tpu.core_type<tc>, window_params = [{transform_indices = @transform_0, window_bounds = array<i64: 1264, 128>}, {transform_indices = @transform_1, window_bounds = array<i64: 1264, 128>}, {pipeline_mode = #tpu.pipeline_mode<synchronous>, transform_indices = @transform_2, window_bounds = array<i64: 128, 16>}, {transform_indices = @transform_3, window_bounds = array<i64: 1264, 16>}]} {
    %get3A = arith.constant 0 : index
    %get3A_0 = arith.constant 0 : index
    %get3A_1 = vector.load %arg1[%get3A, %get3A_0] : memref<1264x128xf32, #tpu.memory_space<vmem>>, vector<1264x128xf32>
    %get3A_2 = arith.constant 0 : index
    %get3A_3 = arith.constant 0 : index
    %get3A_4 = vector.load %arg2[%get3A_2, %get3A_3] : memref<1264x128xf32, #tpu.memory_space<vmem>>, vector<1264x128xf32>
    %add3A = arith.addf %get3A_1, %get3A_4 : vector<1264x128xf32>
    %max3A = arith.constant 0.000000e+00 : f32
    %max3A_5 = vector.broadcast %max3A : f32 to vector<1264x128xf32>
    %max3A_6 = arith.maximumf %add3A, %max3A_5 : vector<1264x128xf32>
    %get3A_7 = arith.constant 0 : index
    %get3A_8 = arith.constant 0 : index
    %get3A_9 = vector.load %arg3[%get3A_7, %get3A_8] : memref<128x16xf32, #tpu.memory_space<vmem>>, vector<128x16xf32>
    %dot_general3A = arith.constant dense<0.000000e+00> : vector<1264x16xf32>
    %dot_general3A_10 = tpu.matmul %max3A_6, %get3A_9, %dot_general3A {dimension_numbers = #tpu.dot_dimension_numbers<[1], [0], [0], [1], [0, 0, 1, 1], [], []>, transpose_lhs_hint = false} : vector<1264x128xf32>, vector<128x16xf32>, vector<1264x16xf32> -> vector<1264x16xf32>
    %swap3A = arith.constant 0 : index
    %swap3A_11 = arith.constant 0 : index
    %swap3A_12 = vector.load %arg4[%swap3A, %swap3A_11] : memref<1264x16xf32, #tpu.memory_space<vmem>>, vector<1264x16xf32>
    tpu.vector_store %arg4[%swap3A, %swap3A_11], %dot_general3A_10 {strides = array<i32>} : memref<1264x16xf32, #tpu.memory_space<vmem>>, vector<1264x16xf32>,
    return
  }
  func.func @transform_0(%arg0: i32) -> (i32, i32) {
    %c0_i32 = arith.constant 0 : i32
    %c0_i32_0 = arith.constant 0 : i32
    return %arg0, %c0_i32 : i32, i32
  }
  func.func @transform_1(%arg0: i32) -> (i32, i32) {
    %c0_i32 = arith.constant 0 : i32
    %c0_i32_0 = arith.constant 0 : i32
    return %arg0, %c0_i32 : i32, i32
  }
  func.func @transform_2(%arg0: i32) -> (i32, i32) {
    %c0_i32 = arith.constant 0 : i32
    %c0_i32_0 = arith.constant 0 : i32
    %c0_i32_1 = arith.constant 0 : i32
    return %c0_i32, %c0_i32_0 : i32, i32
  }
  func.func @transform_3(%arg0: i32) -> (i32, i32) {
    %c0_i32 = arith.constant 0 : i32
    %c0_i32_0 = arith.constant 0 : i32
    return %arg0, %c0_i32 : i32, i32
  }
}

module attributes {stable_mosaic.version = 14 : i64} {
  func.func @_tc_finish_body(%arg0: i32, %arg1: memref<32x8x128xf32, #tpu.memory_space<vmem>>, %arg2: memref<8x128xf32, #tpu.memory_space<vmem>>) attributes {dimension_semantics = [#tpu.dimension_semantics<arbitrary>], iteration_bounds = array<i64: 16>, scalar_prefetch = 0 : i64, scratch_operands = 0 : i64, tpu.core_type = #tpu.core_type<tc>, window_params = [{transform_indices = @transform_0, window_bounds = array<i64: 32, 8, 128>}, {transform_indices = @transform_1, window_bounds = array<i64: 8, 128>}]} {
    %get3A = arith.constant 0 : index
    %get3A_0 = arith.constant 0 : index
    %get3A_1 = arith.constant 0 : index
    %get3A_2 = vector.load %arg1[%get3A, %get3A_0, %get3A_1] : memref<32x8x128xf32, #tpu.memory_space<vmem>>, vector<32x8x128xf32>
    %reduce_sum3A = arith.constant dense<0.000000e+00> : vector<8x128xf32>
    %reduce_sum3A_3 = vector.multi_reduction <add>, %get3A_2, %reduce_sum3A [0] : vector<32x8x128xf32> to vector<8x128xf32>
    %max3A = arith.constant 0.000000e+00 : f32
    %max3A_4 = vector.broadcast %max3A : f32 to vector<8x128xf32>
    %max3A_5 = arith.maximumf %reduce_sum3A_3, %max3A_4 : vector<8x128xf32>
    %swap3A = arith.constant 0 : index
    %swap3A_6 = arith.constant 0 : index
    %swap3A_7 = vector.load %arg2[%swap3A, %swap3A_6] : memref<8x128xf32, #tpu.memory_space<vmem>>, vector<8x128xf32>
    tpu.vector_store %arg2[%swap3A, %swap3A_6], %max3A_5 {strides = array<i32>} : memref<8x128xf32, #tpu.memory_space<vmem>>, vector<8x128xf32>,
    return
  }
  func.func @transform_0(%arg0: i32) -> (i32, i32, i32) {
    %c0_i32 = arith.constant 0 : i32
    %c0_i32_0 = arith.constant 0 : i32
    %c0_i32_1 = arith.constant 0 : i32
    return %c0_i32, %arg0, %c0_i32_0 : i32, i32, i32
  }
  func.func @transform_1(%arg0: i32) -> (i32, i32) {
    %c0_i32 = arith.constant 0 : i32
    %c0_i32_0 = arith.constant 0 : i32
    return %arg0, %c0_i32 : i32, i32
  }
}

</mosaic_0001>

<sc_bundles>
// kernel: kernel.10.cloned.1.call-start
scs
__scs_entry_jumppad:
0x0: {  	(pc) =	sbr.rel $0x88, $3  }
0x1: {  	(tag) =	ssettag $0x0;
	lr =	simm.s32 $0x1  }
0x2: {  	[smem:$0x3F9D] =	sst lr;
	_ =	strace $0xD0000000  }
0x3: {  	_ = 	snop  }
0x4: {  	_ = 	snop  }
0x5: {  	_ = 	snop  }
0x6: {  	_ = 	snop  }
0x7: {  	_ = 	snop  }
__scs_overlays_trampoline_lowered:
0x8: {  	[smem:$0x3FAC] =	sst s0  }
0x9: {  	[smem:$0x3FAD] =	sst s1  }
0xa: {  	[smem:$0x3FAE] =	sst s2  }
0xb: {  	[smem:$0x3FAF] =	sst s3  }
0xc: {  	[smem:$0x3FB0] =	sst s4  }
0xd: {  	[smem:$0x3FB1] =	sst s5  }
0xe: {  	[smem:$0x3FB2] =	sst s6  }
0xf: {  	[smem:$0x3FB3] =	sst s7  }
0x10: {  	[smem:$0x3FB4] =	sst s8  }
0x11: {  	[smem:$0x3FB5] =	sst s9;
	s0 =	simm.s32 @!p0 $0x0  }
0x12: {  	s1 =	sld [smem:$0x3F9B];
	s0 =	simm.s32 @p0 $0x1  }
0x13: {  	[smem:$0x3FB6] =	sst s0;
	s0 =	simm.s32 @!p1 $0x0  }
0x14: {  	s2 =	sld [smem:$0x3F9A];
	s0 =	simm.s32 @p1 $0x1  }
0x15: {  	[smem:$0x3FB7] =	sst s0;
	s0 =	simm.s32 @!p2 $0x0  }
0x16: {  	s3 =	sld [smem:$0x3FDB];
	s0 =	simm.s32 @p2 $0x1  }
0x17: {  	s4 =	simm.s32 $0x1BF5;
	[smem:$0x3FB9] =	sst s0  }
0x18: {  	s0 =	sld [smem:$0x3F9C];
	_ =	swait.ge [sflag:s4], $0x0  }
0x19: {  	s7 =	sld [smem:$0x3F9D]  }
0x1a: {  	s8 =	sadd.s32 $0xFFFFE003, lr  }
0x1b: {  	s9 =	sadd.s32 $0xFFFFFEF7, lr;
	s5 =	simm.s32 $0xFFFFFFFF;
	p2 =	slt.u32 s8, $0xFFFFF086  }
0x1c: {  	p1 =	slt.u32 s9, $0xF7A;
	s5 =	simm.s32 @!p2 $0x0  }
0x1d: {  	s5 =	simm.s32 @p1 $0x1;
	p0 =	seq.s32 s7, s2  }
0x1e: {  	s7 =	smul.u32 @!p0 $0xF7A, s2;
	p2 =	seq.s32 @!p0 s5, $0x0  }
0x1f: {  	s9 =	smul.u32 $0xF7A, s1;
	s8 =	simm.s32 @!p0 $0x1BF5;
	p2 =	por !p2, p0  }
0x20: {  	[sflag:s8] =	ssyncset.s32 @!p0 $0xFFFFF086;
	s6 =	sadd.s32 @!p0 s3, s7;
	s7 =	simm.s32 @!p0 $0x108  }
0x21: {  	s3 =	sadd.s32 s3, s9;
	s6 =	sadd.s32 @!p0 $0x88, s6;
	s7 =	simm.s32 @p2 $0x1082  }
0x22: {  	[simem:s7], [sflag:s8] =	dma.local @!p0 [hbm:s6], $0xF7A  }
0x23: {  	s9 =	sor.u32 $0xD0000000, s2;
	s6 =	simm.s32 $0x108;
	_ =	swait.ge @!p0 [sflag:s8], $0x0  }
0x24: {  	s3 =	sadd.s32 $0x88, s3;
	s6 =	simm.s32 @!p1 $0x1082;
	[sflag:s4] =	ssyncset.s32 $0xFFFFF086  }
0x25: {  	[simem:s6], [sflag:s4] =	dma.local [hbm:s3], $0xF7A  }
0x26: {  	[smem:$0x3F9D] =	sst s1;
	(tag) =	ssettag s2;
	_ =	strace s9  }
0x27: {  	s1 =	sld [smem:$0x3FAD]  }
0x28: {  	s2 =	sld [smem:$0x3FAE]  }
0x29: {  	s4 =	sld [smem:$0x3FB0]  }
0x2a: {  	p0 =	seq.s32 s5, $0x0;
	s5 =	sld [smem:$0x3FB1]  }
0x2b: {  	s6 =	sld [smem:$0x3FB2]  }
0x2c: {  	s7 =	sld [smem:$0x3FB3]  }
0x2d: {  	s3 =	simm.s32 $0x108;
	s8 =	sld [smem:$0x3FB4]  }
0x2e: {  	s3 =	simm.s32 @!p0 $0x1082;
	s9 =	sld [smem:$0x3FB5]  }
0x2f: {  	lr =	sadd.s32 s0, s3;
	s0 =	sld [smem:$0x3FAC]  }
0x30: {  	s3 =	sld [smem:$0x3FAF]  }
0x31: {  	[smem:$0x3FB8] =	sst s10  }
0x32: {  	s10 =	sld [smem:$0x3FB6];
	_ =	sdelay $0x3  }
0x33: {  	p0 =	seq.s32 s10, $0x1;
	s10 =	sld [smem:$0x3FB8];
	_ =	sdelay $0x3  }
0x34: {  	[smem:$0x3FB8] =	sst s10  }
0x35: {  	s10 =	sld [smem:$0x3FB7];
	_ =	sdelay $0x3  }
0x36: {  	p1 =	seq.s32 s10, $0x1;
	s10 =	sld [smem:$0x3FB8];
	_ =	sdelay $0x3  }
0x37: {  	[smem:$0x3FB8] =	sst s10  }
0x38: {  	s10 =	sld [smem:$0x3FB9]  }
0x39: {  	_ = 	snop;
	(pc) =	sbr.ind lr, $3  }
0x3a: {  	_ = 	snop  }
0x3b: {  	_ = 	snop  }
0x3c: {  	p2 =	seq.s32 s10, $0x1;
	s10 =	sld [smem:$0x3FB8]  }
0x3d: {  	_ =	shalt  }
0x3e: {  	_ =	shalt  }
0x3f: {  	_ =	shalt  }
0x40: {  	_ =	shalt  }
0x41: {  	_ =	shalt  }
0x42: {  	_ =	shalt  }
0x43: {  	_ =	shalt  }
0x44: {  	_ =	shalt  }
0x45: {  	_ =	shalt  }
0x46: {  	_ =	shalt  }
0x47: {  	_ =	shalt  }
0x48: {  	_ =	shalt  }
0x49: {  	_ =	shalt  }
0x4a: {  	_ =	shalt  }
0x4b: {  	_ =	shalt  }
0x4c: {  	_ =	shalt  }
0x4d: {  	_ =	shalt  }
0x4e: {  	_ =	shalt  }
0x4f: {  	_ =	shalt  }
0x50: {  	_ =	shalt  }
0x51: {  	_ =	shalt  }
0x52: {  	_ =	shalt  }
0x53: {  	_ =	shalt  }
0x54: {  	_ =	shalt  }
0x55: {  	_ =	shalt  }
0x56: {  	_ =	shalt  }
0x57: {  	_ =	shalt  }
0x58: {  	_ =	shalt  }
0x59: {  	_ =	shalt  }
0x5a: {  	_ =	shalt  }
0x5b: {  	_ =	shalt  }
0x5c: {  	_ =	shalt  }
0x5d: {  	_ =	shalt  }
0x5e: {  	_ =	shalt  }
0x5f: {  	_ =	shalt  }
0x60: {  	_ =	shalt  }
0x61: {  	_ =	shalt  }
0x62: {  	_ =	shalt  }
0x63: {  	_ =	shalt  }
0x64: {  	_ =	shalt  }
0x65: {  	_ =	shalt  }
0x66: {  	_ =	shalt  }
0x67: {  	_ =	shalt  }
0x68: {  	_ =	shalt  }
0x69: {  	_ =	shalt  }
0x6a: {  	_ =	shalt  }
0x6b: {  	_ =	shalt  }
0x6c: {  	_ =	shalt  }
0x6d: {  	_ =	shalt  }
0x6e: {  	_ =	shalt  }
0x6f: {  	_ =	shalt  }
0x70: {  	_ =	shalt  }
0x71: {  	_ =	shalt  }
0x72: {  	_ =	shalt  }
0x73: {  	_ =	shalt  }
0x74: {  	_ =	shalt  }
0x75: {  	_ =	shalt  }
0x76: {  	_ =	shalt  }
0x77: {  	_ =	shalt  }
0x78: {  	_ =	shalt  }
0x79: {  	_ =	shalt  }
0x7a: {  	_ =	shalt  }
0x7b: {  	_ =	shalt  }
0x7c: {  	_ =	shalt  }
0x7d: {  	_ =	shalt  }
0x7e: {  	_ =	shalt  }
0x7f: {  	_ =	shalt  }
0x80: {  	_ =	shalt  }
0x81: {  	_ =	shalt  }
0x82: {  	_ =	shalt  }
0x83: {  	_ =	shalt  }
0x84: {  	_ =	shalt  }
0x85: {  	_ =	shalt  }
0x86: {  	_ =	shalt  }
0x87: {  	_ =	shalt  }
.Lfunc_end0:
.L_simem_size_0:
called_computation.1_lowered:
.L_overlay_start_0:
0x88: {  	s2 =	sld [smem:$0x3FD9]  }
0x89: {  	s3 =	sld [smem:$0x3FFE];
	_ =	sdelay $0x1  }
0x8a: {  	s1 =	srdreg.scid  }
0x8b: {  	s0 =	sand.u32 $0x1, s1  }
0x8c: {  	s17 =	sshll.u32 s0, $0xA;
	s2 =	sadd.s32 s3, s2  }
0x8d: {  	s2 =	sadd.s32 s2, s17  }
0x8e: {  	[smem:$0x3FC4] =	sst s2  }
0x8f: {  	_ = 	snop  }
0x90: {  	s2 =	sld [smem:$0x3FC8];
	(tm) =	ssettm $0x1  }
0x91: {  	s18 =	sld [smem:$0x3FFB];
	_ =	sdelay $0x3  }
0x92: {  	_ =	strace s18  }
0x93: {  	s3 =	sld [smem:$0x3FFC];
	_ =	sdelay $0x3  }
0x94: {  	_ =	strace s3  }
0x95: {  	s3 =	sld [smem:$0x3FFD];
	_ =	sdelay $0x3  }
0x96: {  	_ =	strace s3  }
0x97: {  	_ =	strace $0x8FFFFFFF  }
0x98: {  	s19 =	sld [smem:$0x3FDB];
	_ =	sdelay $0x1  }
0x99: {  	s4 =	simm.s32 $_scs_section_size  }
0x9a: {  	s5 =	simm.s32 $_size__tile_overlayer_lowered;
	s6 =	simm.s32 $_tile_overlayer_lowered  }
0x9b: {  	s22 =	simm.s32 $0x1BFF;
	s21 =	sshll.u32 s6, $0x1;
	s3 =	sadd.s32 s4, s19  }
0x9c: {  	s7 =	simm.s32 $0x0;
	s20 =	sshll.u32 s5, $0x1;
	s5 =	sadd.s32 s21, s3  }
0x9d: {  	[timem:s7], [sflag:s22] =	dma.local [hbm:s5], s20  }
0x9e: {  	_ =	swait.ge [sflag:s22], s20  }
0x9f: {  	s4 =	ssub.s32 $0x0, s20;
	[sflag:s22] =	ssyncset.done $0x0  }
0xa0: {  	[sflag:s22] =	ssyncadd.s32 s4;
	_ =	sdelay $0x1  }
0xa1: {  	s23 =	simm.s32 $0x1B8B  }
0xa2: {  	_ =	swait.ge [sflag:s23], $0x1  }
0xa3: {  	[sflag:s23] =	ssyncset.done $0x0  }
0xa4: {  	s25 =	simm.s32 $0x1B8E;
	s24 =	sld [smem:$0x3FFE];
	[sflag:s23] =	ssyncadd.s32 $0xFFFFFFFF  }
0xa5: {  	s26 =	simm.s32 $execute0_lowered;
	[smem:$0x3FD2] =	sst s25  }
0xa6: {  	s5 =	sshll.u32 s26, $0x1;
	_ =	strace $0x80000049;
	[dreg:$0x1] =	wrdreg $0xFFFFFFFF  }
0xa7: {  	s28 =	simm.s32 $_size_execute0_lowered;
	s3 =	sadd.s32 s3, s5;
	[dreg:$0x0] =	wrdreg $0x0  }
0xa8: {  	s5 =	sshll.u32 s28, $0x1;
	[dreg:$0x2] =	wrdreg s3  }
0xa9: {  	[dreg:$0x3] =	wrdreg s5  }
0xaa: {  	[dreg:$0x4] =	wrdreg $0xC0  }
0xab: {  	_ =	task [dreg:s7], $0x5FFFF  }
0xac: {  	[dreg:$0x1] =	wrdreg $0xFFFFFFFF  }
0xad: {  	[dreg:$0x0] =	wrdreg $0x60  }
0xae: {  	[dreg:$0x2] =	wrdreg s24  }
0xaf: {  	[dreg:$0x3] =	wrdreg s2  }
0xb0: {  	[dreg:$0x4] =	wrdreg $0x9  }
0xb1: {  	_ =	task.clear_ibuf [dreg:s7], $0x5FFFF;
	_ =	strace $0x90000049  }
0xb2: {  	s29 =	simm.s32 $0x9;
	_ =	strace $0x8000004B  }
0xb3: {  	_ =	swait.ge [sflag:s29], $0x1  }
0xb4: {  	[sflag:s29] =	ssyncadd.s32 $0xFFFFFFFF  }
0xb5: {  	_ =	strace $0x9000004B  }
0xb6: {  	_ =	sfence  }
0xb7: {  	s30 =	sld [smem:$0x0];
	_ =	sdelay $0x2  }
0xb8: {  	s31 =	sshll.u32 s1, $0xD;
	s1 =	sshrl.u32 s1, $0x2  }
0xb9: {  	s3 =	sand.u32 $0x4000, s31;
	s1 =	sadd.s32 s1, s30  }
0xba: {  	s0 =	sor.u32 s3, s0;
	s1 =	sshll.u32 s1, $0x11  }
0xbb: {  	s0 =	sor.u32 s1, s0  }
0xbc: {  	s0 =	sadd.s32 $0x8F2B, s0  }
0xbd: {  	[sflag:s0] =	ssyncadd.remote.s32 $0x1  }
0xbe: {  	_ =	sfence.sel $0xFFFF  }
0xbf: {  	[dreg:$0x0] =	wrdreg $0xFFFFFFFF;
	(pc) =	sbr.abs _section_cstart, $3  }
0xc0: {  	[dreg:$0x1] =	wrdreg $0xFFFFFFFF  }
0xc1: {  	_ =	task.clear_ibuf [dreg:s7], $0x2FFFF;
	_ =	strace $0x9FFFFFFF  }
0xc2: {  	(tm) =	ssettm $0x7FFFFFFF  }
0xc3: {  	_ =	shalt  }
tec
execute0_lowered:
.L_overlay_start_1:
0x0: {  	(tag) =	ssettag $0x1  }
0x1: {  	s0 =	srdreg.scid;
	s5 =	rddreg [dreg:$0x0]  }
0x2: {  	s7 =	rddreg [dreg:$0x1];
	s1 =	stileid.u32  }
0x3: {  	s2 =	simm.s32 $0x0;
	s6 =	sand.u32 $0x1, s0;
	s0 =	rddreg [dreg:$0x2]  }
0x4: {  	s12 =	simm.s32 $0x0;
	[smem:$0x7FF] =	sst s2;
	s3 =	sshll.u32 s6, $0x4  }
0x5: {  	s4 =	sadd.s32 $0x1800, s5;
	_ =	strace $0x8000004A;
	s9 =	sor.u32 s1, s3  }
0x6: {  	s6 =	ssub.s32 $0x2, s6;
	s3 =	sadd.s32 $0x1000, s5;
	s8 =	smul.u32 $0x4E, s9  }
0x7: {  	s11 =	sshrl.u32 s6, $0x1;
	s10 =	smin.u32 s9, $0x4;
	s30 =	sshll.u32 s9, $0xB  }
0x8: {  	s31 =	ssub.s32 s6, s11;
	p0 =	sgt.u32 s9, $0x3;
	s8 =	sadd.s32 s10, s8  }
0x9: {  	s9 =	simm.s32 $0x1;
	s10 =	sadd.s32 s30, s5;
	s8 =	sshll.u32 s8, $0x5  }
0xa: {  	s11 =	simm.s32 $0x8F00;
	s5 =	sadd.s32 s7, s8;
	s7 =	sadd.s32 $0x2000, s10  }
0xb: {  	s8 =	smax.u32 s31, $0x1;
	s10 =	simm.s32 $0x4F00;
	s6 =	sadd.s32 $0x9C0, s5  }
.LBB2_1:
0xc: {  	[tilespmem:s2], [sflag:$0x1] =	stream.linear.gather [hbm4b:s5+s2], $0x4E00, $0x38;
	[tilespmem:$0xCF00] =	vst v63  }
0xd: {  	_ =	swait.ge [sflag:s9], $0x4E00  }
0xe: {  	[sflag:s9] =	ssyncset.done $0x0  }
0xf: {  	s13 =	simm.s32 @!p0 $0x0;
	s14 =	simm.s32 @!p0 $0x4E00;
	[sflag:s9] =	ssyncadd.s32 $0xFFFFB200  }
0x10: {  	[tilespmem:s14], [sflag:$0x1] =	stream.linear.gather @!p0 [hbm4b:s6+s13], $0x100, $0x38;
	[tilespmem:$0xCF00] =	vst v63  }
0x11: {  	s13 =	simm.s32 @!p0 $0x1  }
0x12: {  	_ =	swait.ge @!p0 [sflag:s13], $0x100  }
0x13: {  	[sflag:s13] =	ssyncset.done @!p0 $0x0  }
0x14: {  	[sflag:s13] =	ssyncadd.s32 @!p0 $0xFFFFFF00  }
0x15: {  	[tilespmem:s10], [sflag:$0x1] =	stream.linear.gather [hbm4b:s3+s2], $0x4000, $0x38;
	[tilespmem:$0xCF00] =	vst v63  }
0x16: {  	_ =	swait.ge [sflag:s9], $0x4000  }
0x17: {  	[sflag:s9] =	ssyncset.done $0x0  }
0x18: {  	[sflag:s9] =	ssyncadd.s32 $0xFFFFC000  }
0x19: {  	[tilespmem:s11], [sflag:$0x1] =	stream.linear.gather [hbm4b:s4+s2], $0x4000, $0x38;
	[tilespmem:$0xCF00] =	vst v63  }
0x1a: {  	_ =	swait.ge [sflag:s9], $0x4000  }
0x1b: {  	s29 =	sand.u32 $0x70, s2;
	s30 =	sand.u32 $0x7F00, s2;
	[sflag:s9] =	ssyncset.done $0x0  }
0x1c: {  	s13 =	sor.u32 s29, s30;
	[sflag:s9] =	ssyncadd.s32 $0xFFFFC000  }
0x1d: {  	v1 =	vld [tilespmem:s13+$0x0];
	_ =	sdelay $0x4  }
0x1e: {  	v0 =	vld [tilespmem:s13+$0x80];
	_ =	sdelay $0x2  }
0x1f: {  	v1 =	vld.idx.msk [tilespmem:v1+s10+$0x0], $0xffff;
	_ =	sdelay $0x2  }
0x20: {  	s31 =	simm.s32 $0x10;
	s13 =	simm.s32 $0x20  }
0x21: {  	s15 =	sand.u32 $0x70, s31;
	s14 =	simm.s32 $0x20;
	s16 =	sand.u32 $0x7F00, s13  }
.LBB2_2:
0x22: {  	p1 =	sne.s32 s14, $0x26F0;
	s15 =	sor.u32 s15, s16;
	[tilespmem:v0+s11+$0x0] =	vst.idx.add.f32.msk $0xffff, v1  }
0x23: {  	v1 =	vld [tilespmem:s15+$0x0];
	_ =	sdelay $0x5  }
0x24: {  	v0 =	vld [tilespmem:s15+$0x80];
	_ =	sdelay $0x1  }
0x25: {  	v1 =	vld.idx.msk [tilespmem:v1+s10+$0x0], $0xffff  }
.Ltmp0:
0x26: {  	(pc) =	sbr.rel @p1 .LBB2_2-.Ltmp0, $3  }
0x27: {  	_ =	sdelay $0x1  }
0x28: {  	s13 =	sadd.s32 $0x20, s13  }
0x29: {  	s16 =	sand.u32 $0x7F00, s13;
	s15 =	sand.u32 $0x70, s14;
	s14 =	sadd.s32 $0x10, s14  }
0x2a: {  	_ =	sdelay $0x3  }
0x2b: {  	s13 =	sor.u32 s15, s16;
	[tilespmem:v0+s11+$0x0] =	vst.idx.add.f32.msk $0xffff, v1  }
0x2c: {  	v0 =	vld [tilespmem:s13+$0x0];
	_ =	sdelay $0x4  }
0x2d: {  	v1 =	vld [tilespmem:s13+$0x80];
	_ =	sdelay $0x2  }
0x2e: {  	v0 =	vld.idx.msk [tilespmem:v0+s10+$0x0], $0xffff;
	_ =	sdelay $0x4  }
0x2f: {  	[tilespmem:v1+s11+$0x0] =	vst.idx.add.f32.msk $0xffff, v0  }
0x30: {  	v0 =	vld @!p0 [tilespmem:$0x4E00];
	_ =	sdelay $0x4  }
0x31: {  	v1 =	vld @!p0 [tilespmem:$0x4E80];
	_ =	sdelay $0x1  }
0x32: {  	s13 =	simm.s32 @!p0 $0x4F00  }
0x33: {  	v0 =	vld.idx.msk @!p0 [tilespmem:v0+s13+$0x0], $0xffff;
	_ =	sdelay $0x3  }
0x34: {  	s14 =	simm.s32 @!p0 $0x8F00  }
0x35: {  	[tilespmem:v1+s14+$0x0] =	vst.idx.add.f32.msk @!p0 $0xffff, v0  }
0x36: {  	v0 =	vld @!p0 [tilespmem:$0x4E10];
	_ =	sdelay $0x4  }
0x37: {  	v1 =	vld @!p0 [tilespmem:$0x4E90];
	_ =	sdelay $0x2  }
0x38: {  	v0 =	vld.idx.msk @!p0 [tilespmem:v0+s13+$0x0], $0xffff;
	_ =	sdelay $0x4  }
0x39: {  	[tilespmem:v1+s14+$0x0] =	vst.idx.add.f32.msk @!p0 $0xffff, v0  }
0x3a: {  	v0 =	vld @!p0 [tilespmem:$0x4E20];
	_ =	sdelay $0x4  }
0x3b: {  	v1 =	vld @!p0 [tilespmem:$0x4EA0];
	_ =	sdelay $0x2  }
0x3c: {  	v0 =	vld.idx.msk @!p0 [tilespmem:v0+s13+$0x0], $0xffff;
	_ =	sdelay $0x4  }
0x3d: {  	[tilespmem:v1+s14+$0x0] =	vst.idx.add.f32.msk @!p0 $0xffff, v0  }
0x3e: {  	v0 =	vld @!p0 [tilespmem:$0x4E30];
	_ =	sdelay $0x4  }
0x3f: {  	v1 =	vld @!p0 [tilespmem:$0x4EB0];
	_ =	sdelay $0x2  }
0x40: {  	v0 =	vld.idx.msk @!p0 [tilespmem:v0+s13+$0x0], $0xffff;
	_ =	sdelay $0x4  }
0x41: {  	[tilespmem:v1+s14+$0x0] =	vst.idx.add.f32.msk @!p0 $0xffff, v0  }
0x42: {  	v0 =	vld @!p0 [tilespmem:$0x4E40];
	_ =	sdelay $0x4  }
0x43: {  	v1 =	vld @!p0 [tilespmem:$0x4EC0];
	_ =	sdelay $0x2  }
0x44: {  	v0 =	vld.idx.msk @!p0 [tilespmem:v0+s13+$0x0], $0xffff;
	_ =	sdelay $0x4  }
0x45: {  	[tilespmem:v1+s14+$0x0] =	vst.idx.add.f32.msk @!p0 $0xffff, v0  }
0x46: {  	v0 =	vld @!p0 [tilespmem:$0x4E50];
	_ =	sdelay $0x4  }
0x47: {  	v1 =	vld @!p0 [tilespmem:$0x4ED0];
	_ =	sdelay $0x2  }
0x48: {  	v0 =	vld.idx.msk @!p0 [tilespmem:v0+s13+$0x0], $0xffff;
	_ =	sdelay $0x4  }
0x49: {  	[tilespmem:v1+s14+$0x0] =	vst.idx.add.f32.msk @!p0 $0xffff, v0  }
0x4a: {  	v0 =	vld @!p0 [tilespmem:$0x4E60];
	_ =	sdelay $0x4  }
0x4b: {  	v1 =	vld @!p0 [tilespmem:$0x4EE0];
	_ =	sdelay $0x2  }
0x4c: {  	v0 =	vld.idx.msk @!p0 [tilespmem:v0+s13+$0x0], $0xffff;
	_ =	sdelay $0x4  }
0x4d: {  	[tilespmem:v1+s14+$0x0] =	vst.idx.add.f32.msk @!p0 $0xffff, v0  }
0x4e: {  	v0 =	vld @!p0 [tilespmem:$0x4E70];
	_ =	sdelay $0x4  }
0x4f: {  	v1 =	vld @!p0 [tilespmem:$0x4EF0];
	_ =	sdelay $0x2  }
0x50: {  	v0 =	vld.idx.msk @!p0 [tilespmem:v0+s13+$0x0], $0xffff;
	_ =	sdelay $0x2  }
0x51: {  	s12 =	sadd.s32 $0x1, s12  }
0x52: {  	p1 =	sne.s32 s12, s8  }
.Ltmp1:
0x53: {  	[tilespmem:v1+s14+$0x0] =	vst.idx.add.f32.msk @!p0 $0xffff, v0;
	(pc) =	sbr.rel @p1 .LBB2_1-.Ltmp1, $4  }
0x54: {  	[hbm4b:s7+s2] =	stream.linear.scatter [tilespmem:s11], [sflag:$0x1], $0x4000, $0x38;
	[tilespmem:$0xCF00] =	vst v63  }
0x55: {  	_ =	swait.ge [sflag:s9], $0x4000  }
0x56: {  	[sflag:s9] =	ssyncset.done $0x0  }
0x57: {  	[sflag:s9] =	ssyncadd.s32 $0xFFFFC000  }
0x58: {  	_ =	sfence.sel $0x180000  }
0x59: {  	[bflag:$0x0] =	sbarrier.arrive $0xFFFF  }
0x5a: {  	p0 =	sne.s32 s1, $0x0;
	_ =	strace $0x9000004A  }
0x5b: {  	s0 =	sadd.s32 @!p0 $0x100000, s0;
	[bflag:$0x2] =	sbarrier.arrive $0xFFFF  }
0x5c: {  	[sflag:s0] =	ssyncadd.tile.s32 @!p0 $0x1;
	_ =	shalt  }
.Lfunc_end2:
_tile_overlayer_lowered:
.L_overlay_start_2:
0x5d: {  	(tag) =	ssettag $0x2  }
0x5e: {  	s0 =	rddreg [dreg:$0x0];
	s2 =	stileid.u32  }
0x5f: {  	s1 =	rddreg [dreg:$0x1];
	p0 =	sne.s32 s2, $0x0  }
0x60: {  	s3 =	rddreg [dreg:$0x2];
	[bflag:$0x3] =	sbarrier.arrive $0xFFFF;
	s2 =	simm.s32 @!p0 $0x1C01  }
0x61: {  	[timem:s3], [sflag:s2] =	dma.local @!p0 [hbm:s0], s1  }
0x62: {  	s0 =	simm.s32 @!p0 $0x1  }
0x63: {  	_ =	swait.ge @!p0 [sflag:s0], s1  }
0x64: {  	s1 =	ssub.s32 @!p0 $0x0, s1;
	[sflag:s0] =	ssyncset.done @!p0 $0x0  }
0x65: {  	[sflag:s0] =	ssyncadd.s32 @!p0 s1  }
0x66: {  	[bflag:$0x3] =	sbarrier.arrive $0xFFFF  }
0x67: {  	_ =	shalt  }

// kernel: kernel.7.cloned.1.call-start
scs
__scs_entry_jumppad:
0x0: {  	(pc) =	sbr.rel $0x88, $3  }
0x1: {  	(tag) =	ssettag $0x0;
	lr =	simm.s32 $0x1  }
0x2: {  	[smem:$0x3F9D] =	sst lr;
	_ =	strace $0xD0000000  }
0x3: {  	_ = 	snop  }
0x4: {  	_ = 	snop  }
0x5: {  	_ = 	snop  }
0x6: {  	_ = 	snop  }
0x7: {  	_ = 	snop  }
__scs_overlays_trampoline_lowered:
0x8: {  	[smem:$0x3FAC] =	sst s0  }
0x9: {  	[smem:$0x3FAD] =	sst s1  }
0xa: {  	[smem:$0x3FAE] =	sst s2  }
0xb: {  	[smem:$0x3FAF] =	sst s3  }
0xc: {  	[smem:$0x3FB0] =	sst s4  }
0xd: {  	[smem:$0x3FB1] =	sst s5  }
0xe: {  	[smem:$0x3FB2] =	sst s6  }
0xf: {  	[smem:$0x3FB3] =	sst s7  }
0x10: {  	[smem:$0x3FB4] =	sst s8  }
0x11: {  	[smem:$0x3FB5] =	sst s9;
	s0 =	simm.s32 @!p0 $0x0  }
0x12: {  	s1 =	sld [smem:$0x3F9B];
	s0 =	simm.s32 @p0 $0x1  }
0x13: {  	[smem:$0x3FB6] =	sst s0;
	s0 =	simm.s32 @!p1 $0x0  }
0x14: {  	s2 =	sld [smem:$0x3F9A];
	s0 =	simm.s32 @p1 $0x1  }
0x15: {  	[smem:$0x3FB7] =	sst s0;
	s0 =	simm.s32 @!p2 $0x0  }
0x16: {  	s3 =	sld [smem:$0x3FDB];
	s0 =	simm.s32 @p2 $0x1  }
0x17: {  	s4 =	simm.s32 $0x1BF5;
	[smem:$0x3FB9] =	sst s0  }
0x18: {  	s0 =	sld [smem:$0x3F9C];
	_ =	swait.ge [sflag:s4], $0x0  }
0x19: {  	s7 =	sld [smem:$0x3F9D]  }
0x1a: {  	s8 =	sadd.s32 $0xFFFFE003, lr  }
0x1b: {  	s9 =	sadd.s32 $0xFFFFFEF7, lr;
	s5 =	simm.s32 $0xFFFFFFFF;
	p2 =	slt.u32 s8, $0xFFFFF086  }
0x1c: {  	p1 =	slt.u32 s9, $0xF7A;
	s5 =	simm.s32 @!p2 $0x0  }
0x1d: {  	s5 =	simm.s32 @p1 $0x1;
	p0 =	seq.s32 s7, s2  }
0x1e: {  	s7 =	smul.u32 @!p0 $0xF7A, s2;
	p2 =	seq.s32 @!p0 s5, $0x0  }
0x1f: {  	s9 =	smul.u32 $0xF7A, s1;
	s8 =	simm.s32 @!p0 $0x1BF5;
	p2 =	por !p2, p0  }
0x20: {  	[sflag:s8] =	ssyncset.s32 @!p0 $0xFFFFF086;
	s6 =	sadd.s32 @!p0 s3, s7;
	s7 =	simm.s32 @!p0 $0x108  }
0x21: {  	s3 =	sadd.s32 s3, s9;
	s6 =	sadd.s32 @!p0 $0x88, s6;
	s7 =	simm.s32 @p2 $0x1082  }
0x22: {  	[simem:s7], [sflag:s8] =	dma.local @!p0 [hbm:s6], $0xF7A  }
0x23: {  	s9 =	sor.u32 $0xD0000000, s2;
	s6 =	simm.s32 $0x108;
	_ =	swait.ge @!p0 [sflag:s8], $0x0  }
0x24: {  	s3 =	sadd.s32 $0x88, s3;
	s6 =	simm.s32 @!p1 $0x1082;
	[sflag:s4] =	ssyncset.s32 $0xFFFFF086  }
0x25: {  	[simem:s6], [sflag:s4] =	dma.local [hbm:s3], $0xF7A  }
0x26: {  	[smem:$0x3F9D] =	sst s1;
	(tag) =	ssettag s2;
	_ =	strace s9  }
0x27: {  	s1 =	sld [smem:$0x3FAD]  }
0x28: {  	s2 =	sld [smem:$0x3FAE]  }
0x29: {  	s4 =	sld [smem:$0x3FB0]  }
0x2a: {  	p0 =	seq.s32 s5, $0x0;
	s5 =	sld [smem:$0x3FB1]  }
0x2b: {  	s6 =	sld [smem:$0x3FB2]  }
0x2c: {  	s7 =	sld [smem:$0x3FB3]  }
0x2d: {  	s3 =	simm.s32 $0x108;
	s8 =	sld [smem:$0x3FB4]  }
0x2e: {  	s3 =	simm.s32 @!p0 $0x1082;
	s9 =	sld [smem:$0x3FB5]  }
0x2f: {  	lr =	sadd.s32 s0, s3;
	s0 =	sld [smem:$0x3FAC]  }
0x30: {  	s3 =	sld [smem:$0x3FAF]  }
0x31: {  	[smem:$0x3FB8] =	sst s10  }
0x32: {  	s10 =	sld [smem:$0x3FB6];
	_ =	sdelay $0x3  }
0x33: {  	p0 =	seq.s32 s10, $0x1;
	s10 =	sld [smem:$0x3FB8];
	_ =	sdelay $0x3  }
0x34: {  	[smem:$0x3FB8] =	sst s10  }
0x35: {  	s10 =	sld [smem:$0x3FB7];
	_ =	sdelay $0x3  }
0x36: {  	p1 =	seq.s32 s10, $0x1;
	s10 =	sld [smem:$0x3FB8];
	_ =	sdelay $0x3  }
0x37: {  	[smem:$0x3FB8] =	sst s10  }
0x38: {  	s10 =	sld [smem:$0x3FB9]  }
0x39: {  	_ = 	snop;
	(pc) =	sbr.ind lr, $3  }
0x3a: {  	_ = 	snop  }
0x3b: {  	_ = 	snop  }
0x3c: {  	p2 =	seq.s32 s10, $0x1;
	s10 =	sld [smem:$0x3FB8]  }
0x3d: {  	_ =	shalt  }
0x3e: {  	_ =	shalt  }
0x3f: {  	_ =	shalt  }
0x40: {  	_ =	shalt  }
0x41: {  	_ =	shalt  }
0x42: {  	_ =	shalt  }
0x43: {  	_ =	shalt  }
0x44: {  	_ =	shalt  }
0x45: {  	_ =	shalt  }
0x46: {  	_ =	shalt  }
0x47: {  	_ =	shalt  }
0x48: {  	_ =	shalt  }
0x49: {  	_ =	shalt  }
0x4a: {  	_ =	shalt  }
0x4b: {  	_ =	shalt  }
0x4c: {  	_ =	shalt  }
0x4d: {  	_ =	shalt  }
0x4e: {  	_ =	shalt  }
0x4f: {  	_ =	shalt  }
0x50: {  	_ =	shalt  }
0x51: {  	_ =	shalt  }
0x52: {  	_ =	shalt  }
0x53: {  	_ =	shalt  }
0x54: {  	_ =	shalt  }
0x55: {  	_ =	shalt  }
0x56: {  	_ =	shalt  }
0x57: {  	_ =	shalt  }
0x58: {  	_ =	shalt  }
0x59: {  	_ =	shalt  }
0x5a: {  	_ =	shalt  }
0x5b: {  	_ =	shalt  }
0x5c: {  	_ =	shalt  }
0x5d: {  	_ =	shalt  }
0x5e: {  	_ =	shalt  }
0x5f: {  	_ =	shalt  }
0x60: {  	_ =	shalt  }
0x61: {  	_ =	shalt  }
0x62: {  	_ =	shalt  }
0x63: {  	_ =	shalt  }
0x64: {  	_ =	shalt  }
0x65: {  	_ =	shalt  }
0x66: {  	_ =	shalt  }
0x67: {  	_ =	shalt  }
0x68: {  	_ =	shalt  }
0x69: {  	_ =	shalt  }
0x6a: {  	_ =	shalt  }
0x6b: {  	_ =	shalt  }
0x6c: {  	_ =	shalt  }
0x6d: {  	_ =	shalt  }
0x6e: {  	_ =	shalt  }
0x6f: {  	_ =	shalt  }
0x70: {  	_ =	shalt  }
0x71: {  	_ =	shalt  }
0x72: {  	_ =	shalt  }
0x73: {  	_ =	shalt  }
0x74: {  	_ =	shalt  }
0x75: {  	_ =	shalt  }
0x76: {  	_ =	shalt  }
0x77: {  	_ =	shalt  }
0x78: {  	_ =	shalt  }
0x79: {  	_ =	shalt  }
0x7a: {  	_ =	shalt  }
0x7b: {  	_ =	shalt  }
0x7c: {  	_ =	shalt  }
0x7d: {  	_ =	shalt  }
0x7e: {  	_ =	shalt  }
0x7f: {  	_ =	shalt  }
0x80: {  	_ =	shalt  }
0x81: {  	_ =	shalt  }
0x82: {  	_ =	shalt  }
0x83: {  	_ =	shalt  }
0x84: {  	_ =	shalt  }
0x85: {  	_ =	shalt  }
0x86: {  	_ =	shalt  }
0x87: {  	_ =	shalt  }
.Lfunc_end0:
.L_simem_size_0:
called_computation_lowered:
.L_overlay_start_0:
0x88: {  	s2 =	sld [smem:$0x3FD9]  }
0x89: {  	s3 =	sld [smem:$0x3FFE];
	_ =	sdelay $0x1  }
0x8a: {  	s1 =	srdreg.scid  }
0x8b: {  	s0 =	sand.u32 $0x1, s1  }
0x8c: {  	s17 =	sshll.u32 s0, $0xA;
	s2 =	sadd.s32 s3, s2  }
0x8d: {  	s2 =	sadd.s32 s2, s17  }
0x8e: {  	[smem:$0x3FC4] =	sst s2  }
0x8f: {  	_ = 	snop  }
0x90: {  	s2 =	sld [smem:$0x3FC8];
	(tm) =	ssettm $0x1  }
0x91: {  	s18 =	sld [smem:$0x3FFB];
	_ =	sdelay $0x3  }
0x92: {  	_ =	strace s18  }
0x93: {  	s3 =	sld [smem:$0x3FFC];
	_ =	sdelay $0x3  }
0x94: {  	_ =	strace s3  }
0x95: {  	s3 =	sld [smem:$0x3FFD];
	_ =	sdelay $0x3  }
0x96: {  	_ =	strace s3  }
0x97: {  	_ =	strace $0x8FFFFFFF  }
0x98: {  	s19 =	sld [smem:$0x3FDB];
	_ =	sdelay $0x1  }
0x99: {  	s4 =	simm.s32 $_scs_section_size  }
0x9a: {  	s5 =	simm.s32 $_size__tile_overlayer_lowered;
	s6 =	simm.s32 $_tile_overlayer_lowered  }
0x9b: {  	s22 =	simm.s32 $0x1BFF;
	s21 =	sshll.u32 s6, $0x1;
	s3 =	sadd.s32 s4, s19  }
0x9c: {  	s7 =	simm.s32 $0x0;
	s20 =	sshll.u32 s5, $0x1;
	s5 =	sadd.s32 s21, s3  }
0x9d: {  	[timem:s7], [sflag:s22] =	dma.local [hbm:s5], s20  }
0x9e: {  	_ =	swait.ge [sflag:s22], s20  }
0x9f: {  	s4 =	ssub.s32 $0x0, s20;
	[sflag:s22] =	ssyncset.done $0x0  }
0xa0: {  	[sflag:s22] =	ssyncadd.s32 s4;
	_ =	sdelay $0x1  }
0xa1: {  	s23 =	simm.s32 $0x1B8B  }
0xa2: {  	_ =	swait.ge [sflag:s23], $0x1  }
0xa3: {  	[sflag:s23] =	ssyncset.done $0x0  }
0xa4: {  	s25 =	simm.s32 $0x1B8E;
	s24 =	sld [smem:$0x3FFE];
	[sflag:s23] =	ssyncadd.s32 $0xFFFFFFFF  }
0xa5: {  	s26 =	simm.s32 $execute0_lowered;
	[smem:$0x3FD2] =	sst s25  }
0xa6: {  	s5 =	sshll.u32 s26, $0x1;
	_ =	strace $0x80000046;
	[dreg:$0x1] =	wrdreg $0xFFFFFFFF  }
0xa7: {  	s28 =	simm.s32 $_size_execute0_lowered;
	s3 =	sadd.s32 s3, s5;
	[dreg:$0x0] =	wrdreg $0x0  }
0xa8: {  	s5 =	sshll.u32 s28, $0x1;
	[dreg:$0x2] =	wrdreg s3  }
0xa9: {  	[dreg:$0x3] =	wrdreg s5  }
0xaa: {  	[dreg:$0x4] =	wrdreg $0xC0  }
0xab: {  	_ =	task [dreg:s7], $0x5FFFF  }
0xac: {  	[dreg:$0x1] =	wrdreg $0xFFFFFFFF  }
0xad: {  	[dreg:$0x0] =	wrdreg $0x60  }
0xae: {  	[dreg:$0x2] =	wrdreg s24  }
0xaf: {  	[dreg:$0x3] =	wrdreg s2  }
0xb0: {  	[dreg:$0x4] =	wrdreg $0x42000  }
0xb1: {  	[dreg:$0x5] =	wrdreg $0x9  }
0xb2: {  	_ =	task.clear_ibuf [dreg:s7], $0x6FFFF;
	_ =	strace $0x90000046  }
0xb3: {  	s29 =	simm.s32 $0x9;
	_ =	strace $0x80000048  }
0xb4: {  	_ =	swait.ge [sflag:s29], $0x1  }
0xb5: {  	[sflag:s29] =	ssyncadd.s32 $0xFFFFFFFF  }
0xb6: {  	_ =	strace $0x90000048  }
0xb7: {  	_ =	sfence  }
0xb8: {  	s30 =	sld [smem:$0x0];
	_ =	sdelay $0x2  }
0xb9: {  	s31 =	sshll.u32 s1, $0xD;
	s1 =	sshrl.u32 s1, $0x2  }
0xba: {  	s3 =	sand.u32 $0x4000, s31;
	s1 =	sadd.s32 s1, s30  }
0xbb: {  	s0 =	sor.u32 s3, s0;
	s1 =	sshll.u32 s1, $0x11  }
0xbc: {  	s0 =	sor.u32 s1, s0  }
0xbd: {  	s0 =	sadd.s32 $0x8F2B, s0  }
0xbe: {  	[sflag:s0] =	ssyncadd.remote.s32 $0x1  }
0xbf: {  	_ =	sfence.sel $0xFFFF  }
0xc0: {  	[dreg:$0x0] =	wrdreg $0xFFFFFFFF;
	(pc) =	sbr.abs _section_cstart, $3  }
0xc1: {  	[dreg:$0x1] =	wrdreg $0xFFFFFFFF  }
0xc2: {  	_ =	task.clear_ibuf [dreg:s7], $0x2FFFF;
	_ =	strace $0x9FFFFFFF  }
0xc3: {  	(tm) =	ssettm $0x7FFFFFFF  }
tec
execute0_lowered:
.L_overlay_start_1:
0x0: {  	(tag) =	ssettag $0x1  }
0x1: {  	s4 =	rddreg [dreg:$0x0]  }
0x2: {  	s10 =	rddreg [dreg:$0x1]  }
0x3: {  	s1 =	rddreg [dreg:$0x2]  }
0x4: {  	s0 =	rddreg [dreg:$0x3];
	s2 =	simm.s32 $0x0;
	s6 =	srdreg.scid  }
0x5: {  	s17 =	simm.s32 $0x200;
	s18 =	simm.s32 $0x1;
	s3 =	sadd.s32 $0x1000, s4  }
0x6: {  	s5 =	sadd.s32 $0x28200, s4;
	s8 =	sadd.s32 $0x2AA00, s4;
	s4 =	stileid.u32  }
0x7: {  	s19 =	simm.s32 $0x2;
	s6 =	sand.u32 $0x1, s6;
	s12 =	smul.u32 $0x4F000, s4  }
0x8: {  	[smem:$0x7FF] =	sst s2;
	s15 =	sadd.s32 $0x128400, s1;
	s13 =	smul.u32 $0x13C000, s6  }
0x9: {  	s20 =	simm.s32 $0x0;
	_ =	strace $0x80000047;
	s29 =	smul.u32 $0x13C00, s4  }
0xa: {  	s7 =	ssub.s32 $0x2, s6;
	s9 =	sshll.u32 s6, $0x4;
	s16 =	smul.u32 $0x4E0, s6  }
0xb: {  	s31 =	smul.u32 $0x4E, s4;
	s11 =	sshrl.u32 s7, $0x1;
	s9 =	sor.u32 s4, s9  }
0xc: {  	s11 =	ssub.s32 s7, s11;
	p0 =	slt.u32 s9, $0x4;
	s28 =	smul.u32 $0x4E, s9  }
0xd: {  	s9 =	smin.u32 s9, $0x4;
	s12 =	sshrl.u32 s12, $0x2;
	s30 =	sadd.s32 s29, s13  }
0xe: {  	s13 =	sshrl.u32 s13, $0x3;
	s14 =	sadd.s32 s12, s1;
	s7 =	sadd.s32 s9, s28  }
0xf: {  	s9 =	sor.u32 s16, s9;
	s16 =	simm.s32 $0x80;
	s7 =	sshll.u32 s7, $0x5  }
0x10: {  	s12 =	sadd.s32 s31, s9;
	s9 =	simm.s32 $0x13800;
	s6 =	sadd.s32 s10, s7  }
0x11: {  	s7 =	sshrl.u32 s30, $0x3;
	s12 =	sshll.u32 s12, $0x5;
	s9 =	simm.s32 @!p0 $0x13400  }
0x12: {  	p0 =	seq.s32 s4, $0xF;
	s7 =	sadd.s32 s8, s7;
	s8 =	sadd.s32 s8, s13  }
0x13: {  	s12 =	sadd.s32 s12, s10;
	s10 =	smax.u32 s11, $0x1;
	s13 =	sshll.u32 @!p0 s4, $0x6  }
0x14: {  	s14 =	sshrl.u32 @!p0 s14, $0x3;
	s8 =	sadd.s32 $0x25080, s8;
	s11 =	sadd.s32 $0x20, s12  }
0x15: {  	s12 =	sshrl.u32 @p0 s15, $0x3;
	s13 =	sor.u32 @!p0 $0x1C03, s13;
	s15 =	simm.s32 $0x3  }
.LBB2_1:
0x16: {  	s23 =	simm.s32 @p0 $0x1FC3;
	s22 =	simm.s32 @p0 $0x3  }
0x17: {  	[spmem:s12], [sflag:s23] =	dma.local @p0 [hbm:s5], $0x2100  }
0x18: {  	_ =	swait.ge @p0 [sflag:s22], $0x2100  }
0x19: {  	[sflag:s22] =	ssyncset.done @p0 $0x0  }
0x1a: {  	s21 =	simm.s32 @!p0 $0x3;
	[sflag:s22] =	ssyncadd.s32 @p0 $0xFFFFDF00  }
0x1b: {  	[spmem:s14], [sflag:s13] =	dma.local @!p0 [hbm:s5], $0x2780  }
0x1c: {  	_ =	swait.ge @!p0 [sflag:s21], $0x2780  }
0x1d: {  	[sflag:s21] =	ssyncset.done @!p0 $0x0  }
0x1e: {  	p2 =	sne.s32 s9, $0x400;
	[sflag:s21] =	ssyncadd.s32 @!p0 $0xFFFFD880  }
0x1f: {  	[tilespmem:s2], [sflag:$0x3] =	stream.linear.gather [hbm4b:s6+s2], $0x100, $0x38;
	[tilespmem:$0x17AC0] =	vst v63  }
.Ltmp0:
0x20: {  	_ =	swait.ge [sflag:s15], $0x100;
	(pc) =	sbr.rel @!p2 .LBB2_2-.Ltmp0, $4  }
0x21: {  	[sflag:s15] =	ssyncset.done $0x0  }
0x22: {  	[sflag:s15] =	ssyncadd.s32 $0xFFFFFF00  }
0x23: {  	s25 =	simm.s32 $0x0;
	[bflag:$0x0] =	sbarrier.arrive $0xFFFF  }
0x24: {  	s24 =	simm.s32 $0x400;
	p1 =	por $0x0, $0x0;
	s25 =	sand.u32 $0x100, s25  }
0x25: {  	s24 =	sxor.u32 $0x100, s25  }
0x26: {  	[tilespmem:s24], [sflag:$0x2] =	stream.linear.gather [hbm4b:s11+s2], $0x100, $0x38;
	[tilespmem:$0x17AC0] =	vst v63  }
0x27: {  	_ = 	snop  }
0x28: {  	[tilespmem:s17], [sflag:$0x1] =	stream.indirect.gather [hbm4b:s3+s16], $0x80, s25, s16, $0xb8;
	[tilespmem:$0x17AC0] =	vst v63  }
0x29: {  	_ =	swait.ge [sflag:s18], $0x4000  }
0x2a: {  	[sflag:s18] =	ssyncset.done $0x0  }
0x2b: {  	s30 =	sor.u32 $0x80, s25;
	p2 =	sne.s32 s9, $0x800;
	[sflag:s18] =	ssyncadd.s32 $0xFFFFC000  }
0x2c: {  	[spmem:s1] =	stream.indirect.scatter.add.f32 [tilespmem:s17], [sflag:$0x3], $0x80, s30, s16, $0xb8;
	[tilespmem:$0x17AC0] =	vst v63  }
.Ltmp1:
0x2d: {  	_ =	swait.ge [sflag:s15], $0x4000;
	(pc) =	sbr.rel @!p2 .LBB2_5-.Ltmp1, $4  }
0x2e: {  	[sflag:s15] =	ssyncset.done $0x0  }
0x2f: {  	s31 =	simm.s32 $0x100;
	s28 =	simm.s32 $0x1;
	[sflag:s15] =	ssyncadd.s32 $0xFFFFC000  }
0x30: {  	s26 =	sadd.s32 $0x20, s11;
	p1 =	por $0x1, $0x1;
	_ =	swait.ge [sflag:s19], $0x100  }
0x31: {  	s24 =	simm.s32 $0x800;
	s25 =	sand.u32 $0x100, s31;
	[sflag:s19] =	ssyncset.done $0x0  }
.LBB2_4:
0x32: {  	s24 =	sadd.s32 $0x400, s24;
	s29 =	sxor.u32 $0x100, s25;
	[sflag:s19] =	ssyncadd.s32 $0xFFFFFF00  }
0x33: {  	[tilespmem:s29], [sflag:$0x2] =	stream.linear.gather [hbm4b:s26+s2], $0x100, $0x38;
	[tilespmem:$0x17AC0] =	vst v63  }
0x34: {  	p2 =	sne.s32 s9, s24  }
0x35: {  	[tilespmem:s17], [sflag:$0x1] =	stream.indirect.gather [hbm4b:s3+s16], $0x80, s25, s16, $0xb8;
	[tilespmem:$0x17AC0] =	vst v63  }
0x36: {  	_ =	swait.ge [sflag:s18], $0x4000  }
0x37: {  	[sflag:s18] =	ssyncset.done $0x0  }
0x38: {  	s25 =	sor.u32 $0x80, s25;
	[sflag:s18] =	ssyncadd.s32 $0xFFFFC000  }
0x39: {  	[spmem:s1] =	stream.indirect.scatter.add.f32 [tilespmem:s17], [sflag:$0x3], $0x80, s25, s16, $0xb8;
	[tilespmem:$0x17AC0] =	vst v63  }
.Ltmp2:
0x3a: {  	_ =	swait.ge [sflag:s15], $0x4000;
	(pc) =	sbr.rel @p2 .LBB2_4-.Ltmp2, $4  }
0x3b: {  	[sflag:s15] =	ssyncset.done $0x0  }
0x3c: {  	s28 =	sadd.s32 $0x1, s28;
	[sflag:s15] =	ssyncadd.s32 $0xFFFFC000  }
0x3d: {  	s25 =	sshll.u32 s28, $0x8;
	_ =	swait.ge [sflag:s19], $0x100  }
0x3e: {  	s26 =	sadd.s32 $0x20, s26;
	s25 =	sand.u32 $0x100, s25;
	[sflag:s19] =	ssyncset.done $0x0  }
.LBB2_5:
0x3f: {  	s28 =	sxor.u32 $0x100, s25;
	[sflag:s19] =	ssyncadd.s32 @p1 $0xFFFFFF00  }
0x40: {  	[tilespmem:s28], [sflag:$0x2] =	stream.linear.gather [hbm4b:s26+s2], $0x100, $0x38;
	[tilespmem:$0x17AC0] =	vst v63  }
0x41: {  	_ = 	snop  }
0x42: {  	[tilespmem:s17], [sflag:$0x1] =	stream.indirect.gather [hbm4b:s3+s16], $0x80, s25, s16, $0xb8;
	[tilespmem:$0x17AC0] =	vst v63  }
0x43: {  	_ =	swait.ge [sflag:s18], $0x4000  }
0x44: {  	[sflag:s18] =	ssyncset.done $0x0  }
0x45: {  	s31 =	sor.u32 $0x80, s25;
	[sflag:s18] =	ssyncadd.s32 $0xFFFFC000  }
0x46: {  	[spmem:s1] =	stream.indirect.scatter.add.f32 [tilespmem:s17], [sflag:$0x3], $0x80, s31, s16, $0xb8;
	[tilespmem:$0x17AC0] =	vst v63  }
0x47: {  	_ =	swait.ge [sflag:s15], $0x4000  }
0x48: {  	[sflag:s15] =	ssyncset.done $0x0  }
0x49: {  	[sflag:s15] =	ssyncadd.s32 $0xFFFFC000  }
0x4a: {  	_ =	swait.ge [sflag:s19], $0x100  }
0x4b: {  	s24 =	sshrl.u32 s24, $0x2;
	[sflag:s19] =	ssyncset.done $0x0  }
0x4c: {  	s24 =	sand.u32 $0x100, s24;
	[sflag:s19] =	ssyncadd.s32 $0xFFFFFF00  }
0x4d: {  	[tilespmem:s17], [sflag:$0x1] =	stream.indirect.gather [hbm4b:s3+s16], $0x80, s24, s16, $0xb8;
	[tilespmem:$0x17AC0] =	vst v63  }
0x4e: {  	_ =	swait.ge [sflag:s18], $0x4000  }
0x4f: {  	[sflag:s18] =	ssyncset.done $0x0  }
0x50: {  	s24 =	sor.u32 $0x80, s24;
	[sflag:s18] =	ssyncadd.s32 $0xFFFFC000  }
0x51: {  	[spmem:s1] =	stream.indirect.scatter.add.f32 [tilespmem:s17], [sflag:$0x3], $0x80, s24, s16, $0xb8;
	[tilespmem:$0x17AC0] =	vst v63  }
0x52: {  	_ =	swait.ge [sflag:s15], $0x4000  }
0x53: {  	[sflag:s15] =	ssyncset.done $0x0  }
0x54: {  	[sflag:s15] =	ssyncadd.s32 $0xFFFFC000  }
0x55: {  	[bflag:$0x0] =	sbarrier.arrive $0xFFFF  }
0x56: {  	[hbm:s8], [sflag:s23] =	dma.local @p0 [spmem:s12], $0x2100  }
0x57: {  	_ =	swait.ge @p0 [sflag:s22], $0x2100  }
0x58: {  	s20 =	sadd.s32 $0x1, s20;
	[sflag:s22] =	ssyncset.done @p0 $0x0  }
0x59: {  	p1 =	sne.s32 s20, s10;
	[sflag:s22] =	ssyncadd.s32 @p0 $0xFFFFDF00  }
0x5a: {  	[hbm:s7], [sflag:s13] =	dma.local @!p0 [spmem:s14], $0x2780  }
.Ltmp3:
0x5b: {  	_ = 	snop;
	(pc) =	sbr.rel @p1 .LBB2_1-.Ltmp3, $4  }
.Ltmp4:
0x5c: {  	_ = 	snop;
	(pc) =	sbr.rel @!p1 .LBB2_6-.Ltmp4, $4  }
0x5d: {  	_ =	swait.ge @!p0 [sflag:s21], $0x2780  }
0x5e: {  	[sflag:s21] =	ssyncset.done @!p0 $0x0  }
0x5f: {  	[sflag:s21] =	ssyncadd.s32 @!p0 $0xFFFFD880  }
0x60: {  	_ = 	snop  }
.LBB2_2:
.Ltmp5:
0x61: {  	(pc) =	sbr.rel .LBB2_5-.Ltmp5, $2  }
0x62: {  	_ =	sdelay $0x2  }
0x63: {  	s26 =	smov.u32 s11  }
.LBB2_6:
0x64: {  	_ =	sfence.sel $0x180000  }
0x65: {  	[bflag:$0x0] =	sbarrier.arrive $0xFFFF  }
0x66: {  	p0 =	sne.s32 s4, $0x0;
	_ =	strace $0x90000047  }
0x67: {  	s0 =	sadd.s32 @!p0 $0x100000, s0;
	[bflag:$0x2] =	sbarrier.arrive $0xFFFF  }
0x68: {  	[sflag:s0] =	ssyncadd.tile.s32 @!p0 $0x1;
	_ =	shalt  }
.Lfunc_end2:
_tile_overlayer_lowered:
.L_overlay_start_2:
0x69: {  	(tag) =	ssettag $0x2  }
0x6a: {  	s0 =	rddreg [dreg:$0x0];
	s2 =	stileid.u32  }
0x6b: {  	s1 =	rddreg [dreg:$0x1];
	p0 =	sne.s32 s2, $0x0  }
0x6c: {  	s3 =	rddreg [dreg:$0x2];
	[bflag:$0x3] =	sbarrier.arrive $0xFFFF;
	s2 =	simm.s32 @!p0 $0x1C03  }
0x6d: {  	[timem:s3], [sflag:s2] =	dma.local @!p0 [hbm:s0], s1  }
0x6e: {  	s0 =	simm.s32 @!p0 $0x3  }
0x6f: {  	_ =	swait.ge @!p0 [sflag:s0], s1  }
0x70: {  	s1 =	ssub.s32 @!p0 $0x0, s1;
	[sflag:s0] =	ssyncset.done @!p0 $0x0  }
0x71: {  	[sflag:s0] =	ssyncadd.s32 @!p0 s1  }
0x72: {  	[bflag:$0x3] =	sbarrier.arrive $0xFFFF  }
0x73: {  	_ =	shalt  }

</sc_bundles>
